<compile_context>
chip_gen: v7x
topology: tpu7x:2x2x1
jax: 0.10.2.dev20260603
libtpu: 0.0.44.dev20260713+nightly
codegen_flags: <defaults>
</compile_context>

<pallas_src>
import functools

import jax
import jax.numpy as jnp
from jax import lax
from jax.experimental import pallas as pl
from jax.experimental.pallas import tpu as pltpu
from jax.experimental.pallas import tpu_sc as plsc

H = 1024
F = 512
E = 8
FS = 1024
T = 2048
BT = 128
NBLK = T * 2 // BT + E
PADT = NBLK * BT
NW = 32
CW = (2 * T) // NW


def _silu(v):
    return v * jax.nn.sigmoid(v)



def _routing_body(x_ref, gwt_ref, gw_ref, bias_row_ref, bias_col_ref,
                  wa_ref, wb_ref, pos_ref, blk_e_ref, blk_v_ref):
    x = x_ref[...]

    logits = jnp.dot(x, gwt_ref[...], preferred_element_type=jnp.float32)
    scores = jax.nn.sigmoid(logits)
    sfc = scores + bias_row_ref[...]
    colE = lax.broadcasted_iota(jnp.int32, (T, E), 1)
    m1 = jnp.max(sfc, axis=1, keepdims=True)
    i1 = jnp.min(jnp.where(sfc == m1, colE, E), axis=1, keepdims=True)
    oh1 = (colE == i1).astype(jnp.float32)
    sfc2 = jnp.where(oh1 > 0, -jnp.inf, sfc)
    m2 = jnp.max(sfc2, axis=1, keepdims=True)
    i2 = jnp.min(jnp.where(sfc2 == m2, colE, E), axis=1, keepdims=True)
    oh2 = (colE == i2).astype(jnp.float32)
    s1 = jnp.sum(oh1 * scores, axis=1, keepdims=True)
    s2 = jnp.sum(oh2 * scores, axis=1, keepdims=True)
    den = s1 + s2 + 1e-20
    wa_ref[...] = s1 / den
    wb_ref[...] = s2 / den

    logitsT = lax.dot_general(gw_ref[...], x, (((1,), (1,)), ((), ())),
                              preferred_element_type=jnp.float32)
    scoresT = jax.nn.sigmoid(logitsT)
    sfcT = scoresT + bias_col_ref[...]
    rowE = lax.broadcasted_iota(jnp.int32, (E, T), 0)
    n1 = jnp.max(sfcT, axis=0, keepdims=True)
    j1 = jnp.min(jnp.where(sfcT == n1, rowE, E), axis=0, keepdims=True)
    p1 = (rowE == j1).astype(jnp.float32)
    sfcT2 = jnp.where(p1 > 0, -jnp.inf, sfcT)
    n2 = jnp.max(sfcT2, axis=0, keepdims=True)
    j2 = jnp.min(jnp.where(sfcT2 == n2, rowE, E), axis=0, keepdims=True)
    p2 = (rowE == j2).astype(jnp.float32)

    cnt = jnp.sum(p1 + p2, axis=1, keepdims=True)
    cnt_pad = jnp.floor((cnt + (BT - 1)) * (1.0 / BT)) * BT
    er = lax.broadcasted_iota(jnp.int32, (E, E), 0)
    ec = lax.broadcasted_iota(jnp.int32, (E, E), 1)
    lower = (er > ec).astype(jnp.float32)
    off = jnp.dot(lower, cnt_pad, preferred_element_type=jnp.float32)

    ohk = jnp.concatenate([p1[:, None, :], p2[:, None, :]], axis=1)
    oh4 = ohk.reshape(E, 2, T // BT, BT)
    cr = lax.broadcasted_iota(jnp.int32, (BT, BT), 0)
    cc = lax.broadcasted_iota(jnp.int32, (BT, BT), 1)
    l128 = (cr < cc).astype(jnp.float32)
    rankin = lax.dot_general(oh4, l128, (((3,), (0,)), ((), ())),
                             preferred_element_type=jnp.float32)
    tot = jnp.sum(oh4, axis=3)
    gr = lax.broadcasted_iota(jnp.int32, (T // BT, T // BT), 0)
    gc = lax.broadcasted_iota(jnp.int32, (T // BT, T // BT), 1)
    l16 = (gr < gc).astype(jnp.float32)
    exc_c = lax.dot_general(tot, l16, (((2,), (0,)), ((), ())))
    tk0 = jnp.sum(tot[:, 0:1, :], axis=2, keepdims=True)
    kof = lax.broadcasted_iota(jnp.int32, (E, 2, T // BT), 1).astype(
        jnp.float32)
    exc = exc_c + kof * tk0
    rank4 = rankin + exc[..., None]
    posf = jnp.sum(oh4 * (rank4 + off.reshape(E, 1, 1, 1)), axis=0)
    pos_ref[...] = posf.reshape(2, T).astype(jnp.int32)

    bstart = lax.broadcasted_iota(jnp.int32, (E, NBLK), 1).astype(
        jnp.float32) * BT
    offb = off
    inb = jnp.logical_and(bstart >= offb, bstart < offb + cnt_pad)
    inbf = inb.astype(jnp.float32)
    ev = lax.broadcasted_iota(jnp.int32, (E, NBLK), 0).astype(jnp.float32)
    blk_e_f = jnp.sum(ev * inbf, axis=0, keepdims=True)
    valid = jnp.sum(inbf, axis=0, keepdims=True)
    emax = jnp.max(blk_e_f, axis=1, keepdims=True)
    blk_e_ref[...] = jnp.where(valid > 0, blk_e_f, emax).astype(jnp.int32)
    blk_v_ref[...] = valid.astype(jnp.int32)


def _routing(x, gate_w, gate_bias):
    return pl.pallas_call(
        _routing_body,
        out_shape=(
            jax.ShapeDtypeStruct((T, 1), jnp.float32),
            jax.ShapeDtypeStruct((T, 1), jnp.float32),
            jax.ShapeDtypeStruct((2, T), jnp.int32),
            jax.ShapeDtypeStruct((1, NBLK), jnp.int32),
            jax.ShapeDtypeStruct((1, NBLK), jnp.int32),
        ),
    )(x, gate_w.T, gate_w, gate_bias.reshape(1, E), gate_bias.reshape(E, 1))



def _dispatch_sc(x, pos3):
    mesh = plsc.VectorSubcoreMesh(core_axis_name="c", subcore_axis_name="s")

    @functools.partial(
        pl.kernel,
        mesh=mesh,
        out_type=jax.ShapeDtypeStruct((PADT, H), jnp.float32),
        scratch_types=[
            pltpu.VMEM((2, CW // 2), jnp.int32),
            pltpu.VMEM((CW // 2, H), jnp.float32),
            pltpu.SemaphoreType.DMA,
        ],
    )
    def k(x_hbm, pos_hbm, disp_hbm, idx_v, buf_v, sem):
        w = lax.axis_index("s") * 2 + lax.axis_index("c")
        pltpu.sync_copy(pos_hbm.at[w], idx_v)
        for j in range(2):
            ebase = w * CW + j * (CW // 2)
            tb = lax.rem(ebase, T)
            pltpu.sync_copy(x_hbm.at[pl.ds(tb, CW // 2)], buf_v)
            pltpu.async_copy(buf_v, disp_hbm.at[idx_v.at[j]], sem).wait()

    return k(x, pos3)



def _ggemm_body(be_ref, bv_ref, d_ref, w1_ref, w2_ref, w3_ref, y_ref):
    b = pl.program_id(0)

    @pl.when(bv_ref[b] == 1)
    def _():
        xb = d_ref[...]
        h1 = jnp.dot(xb, w1_ref[0], preferred_element_type=jnp.float32)
        h3 = jnp.dot(xb, w3_ref[0], preferred_element_type=jnp.float32)
        y_ref[...] = jnp.dot(_silu(h1) * h3, w2_ref[0],
                             preferred_element_type=jnp.float32)


def _ggemm(disp, blk_e, blk_v, w1, w2, w3):
    grid_spec = pltpu.PrefetchScalarGridSpec(
        num_scalar_prefetch=2,
        grid=(NBLK,),
        in_specs=[
            pl.BlockSpec((BT, H), lambda b, be, bv: (b, 0)),
            pl.BlockSpec((1, H, F), lambda b, be, bv: (be[b], 0, 0)),
            pl.BlockSpec((1, F, H), lambda b, be, bv: (be[b], 0, 0)),
            pl.BlockSpec((1, H, F), lambda b, be, bv: (be[b], 0, 0)),
        ],
        out_specs=pl.BlockSpec((BT, H), lambda b, be, bv: (b, 0)),
    )
    return pl.pallas_call(
        _ggemm_body,
        grid_spec=grid_spec,
        out_shape=jax.ShapeDtypeStruct((PADT, H), jnp.float32),
        compiler_params=pltpu.CompilerParams(
            dimension_semantics=("arbitrary",),
        ),
    )(blk_e, blk_v, disp, w1, w2, w3)



def _combine_sc(y, posa, posb):
    mesh = plsc.VectorSubcoreMesh(core_axis_name="c", subcore_axis_name="s")
    tpw = T // NW

    @functools.partial(
        pl.kernel,
        mesh=mesh,
        out_type=(
            jax.ShapeDtypeStruct((T, H), jnp.float32),
            jax.ShapeDtypeStruct((T, H), jnp.float32),
        ),
        scratch_types=[
            pltpu.VMEM((tpw,), jnp.int32),
            pltpu.VMEM((tpw, H), jnp.float32),
            pltpu.SemaphoreType.DMA,
        ],
    )
    def k(y_hbm, pa_hbm, pb_hbm, ya_hbm, yb_hbm, idx_v, buf_v, sem):
        w = lax.axis_index("s") * 2 + lax.axis_index("c")
        pltpu.sync_copy(pa_hbm.at[w], idx_v)
        pltpu.async_copy(y_hbm.at[idx_v], buf_v, sem).wait()
        pltpu.sync_copy(buf_v, ya_hbm.at[pl.ds(w * tpw, tpw)])
        pltpu.sync_copy(pb_hbm.at[w], idx_v)
        pltpu.async_copy(y_hbm.at[idx_v], buf_v, sem).wait()
        pltpu.sync_copy(buf_v, yb_hbm.at[pl.ds(w * tpw, tpw)])

    return k(y, posa, posb)



BTS = 512


def _final_body(x_ref, sg_ref, su_ref, sd_ref, ya_ref, yb_ref, wa_ref,
                wb_ref, o_ref):
    x = x_ref[...]
    g = jnp.dot(x, sg_ref[...], preferred_element_type=jnp.float32)
    u = jnp.dot(x, su_ref[...], preferred_element_type=jnp.float32)
    sh = jnp.dot(_silu(g) * u, sd_ref[...], preferred_element_type=jnp.float32)
    o_ref[...] = sh + wa_ref[...] * ya_ref[...] + wb_ref[...] * yb_ref[...]


def _final(x, sg, su, sd, ya, yb, wa, wb):
    nb = T // BTS
    return pl.pallas_call(
        _final_body,
        grid=(nb,),
        in_specs=[
            pl.BlockSpec((BTS, H), lambda t: (t, 0)),
            pl.BlockSpec((H, FS), lambda t: (0, 0)),
            pl.BlockSpec((H, FS), lambda t: (0, 0)),
            pl.BlockSpec((FS, H), lambda t: (0, 0)),
            pl.BlockSpec((BTS, H), lambda t: (t, 0)),
            pl.BlockSpec((BTS, H), lambda t: (t, 0)),
            pl.BlockSpec((BTS, 1), lambda t: (t, 0)),
            pl.BlockSpec((BTS, 1), lambda t: (t, 0)),
        ],
        out_specs=pl.BlockSpec((BTS, H), lambda t: (t, 0)),
        out_shape=jax.ShapeDtypeStruct((T, H), jnp.float32),
        compiler_params=pltpu.CompilerParams(
            dimension_semantics=("arbitrary",),
        ),
    )(x, sg, su, sd, ya, yb, wa, wb)


@jax.jit
def kernel(hidden_states, gate_w, gate_bias, w1, w2, w3, sg, su, sd):
    orig_shape = hidden_states.shape
    x = hidden_states.reshape(T, H)
    wa, wb, pos2, blk_e, blk_v = _routing(x, gate_w, gate_bias)
    pos3 = pos2.reshape(NW, 2, CW // 2)
    posa = pos2[0].reshape(NW, T // NW)
    posb = pos2[1].reshape(NW, T // NW)
    disp = _dispatch_sc(x, pos3)
    y = _ggemm(disp, blk_e.reshape(NBLK), blk_v.reshape(NBLK), w1, w2, w3)
    ya, yb = _combine_sc(y, posa, posb)
    out = _final(x, sg, su, sd, ya, yb, wa, wb)
    return out.reshape(orig_shape)

# --- scband reference (transcript-rebuilt; emitter-appended) ---
"""Pipeline reference for scband-kimi-sparse-moe-block-68195490726076 (READ-ONLY COPY).

The authoritative reference and input builder live on the scoring server;
editing this copy changes nothing except your own understanding.
"""

import jax, jax.numpy as jnp
import numpy as np

H = 1024
F = 512
E = 8
TOPK = 2
NSHARED = 2
FS = F * NSHARED
B = 1
S = 2048
SCALE = 1.0


def setup_inputs(seed: int = 0) -> dict:
    key = jax.random.key(seed)
    ks = jax.random.split(key, 10)
    hidden_states = jax.random.normal(ks[0], (B, S, H), dtype=jnp.float32)
    gate_w = jax.random.normal(ks[1], (E, H), dtype=jnp.float32) * 0.02
    gate_bias = jax.random.normal(ks[2], (E,), dtype=jnp.float32) * 0.01
    w1 = jax.random.normal(ks[3], (E, H, F), dtype=jnp.float32) * 0.02
    w2 = jax.random.normal(ks[4], (E, F, H), dtype=jnp.float32) * 0.02
    w3 = jax.random.normal(ks[5], (E, H, F), dtype=jnp.float32) * 0.02
    sg = jax.random.normal(ks[6], (H, FS), dtype=jnp.float32) * 0.02
    su = jax.random.normal(ks[7], (H, FS), dtype=jnp.float32) * 0.02
    sd = jax.random.normal(ks[8], (FS, H), dtype=jnp.float32) * 0.02
    return {
        'hidden_states': hidden_states,
        'gate_w': gate_w,
        'gate_bias': gate_bias,
        'w1': w1,
        'w2': w2,
        'w3': w3,
        'sg': sg,
        'su': su,
        'sd': sd,
    }


def _gate(x, gate_w, gate_bias):
    # KimiMoEGate with sigmoid activation, 1 expert group, topk_group=1, renormalize
    logits = x.astype(jnp.float32) @ gate_w.astype(jnp.float32).T
    scores = jax.nn.sigmoid(logits)
    scores_for_choice = scores + gate_bias[None, :]
    T = x.shape[0]
    g = scores_for_choice.reshape(T, 1, E)
    group_scores = jnp.sum(jax.lax.top_k(g, 2)[0], axis=-1)  # [T, 1]
    group_idx = jax.lax.top_k(group_scores, 1)[1]  # [T, 1]
    group_mask = jnp.zeros_like(group_scores).at[jnp.arange(T)[:, None], group_idx].set(1.0)
    score_mask = jnp.broadcast_to(group_mask[:, :, None], (T, 1, E)).reshape(T, E)
    tmp_scores = jnp.where(score_mask > 0, scores_for_choice, 0.0)
    _, topk_idx = jax.lax.top_k(tmp_scores, TOPK)
    topk_weight = jnp.take_along_axis(scores, topk_idx, axis=1)
    # top_k > 1 and moe_renormalize
    topk_weight = topk_weight / (jnp.sum(topk_weight, axis=-1, keepdims=True) + 1e-20)
    topk_weight = topk_weight * SCALE
    return topk_idx, topk_weight


def reference(hidden_states, gate_w, gate_bias, w1, w2, w3, sg, su, sd):
    orig_shape = hidden_states.shape
    x = hidden_states.reshape(-1, H)
    topk_idx, topk_weight = _gate(x, gate_w, gate_bias)
    T = x.shape[0]
    # combine[t, e] = sum_k topk_weight[t, k] * 1[topk_idx[t, k] == e]
    combine = jnp.zeros((T, E), dtype=jnp.float32).at[jnp.arange(T)[:, None], topk_idx].add(topk_weight)
    # expert MLPs (SwiGLU): w2(silu(w1 x) * w3 x)
    h1 = jnp.einsum('th,ehf->etf', x, w1)
    h3 = jnp.einsum('th,ehf->etf', x, w3)
    eo = jnp.einsum('etf,efh->eth', jax.nn.silu(h1) * h3, w2)
    moe_out = jnp.einsum('te,eth->th', combine, eo)
    shared_out = (jax.nn.silu(x @ sg) * (x @ su)) @ sd
    return (moe_out + shared_out).reshape(orig_shape)

if __name__ == "__main__":
    import jax
    _d = setup_inputs()
    print(jax.jit(kernel)(*tuple(_d.values())))

</pallas_src>

<mosaic_0001>
#map = affine_map<(d0, d1) -> (0, 0)>
module attributes {stable_mosaic.version = 14 : i64} {
  func.func @k(%arg0: i32, %arg1: i32, %arg2: memref<5120x1024xf32, #tpu.memory_space<hbm>>, %arg3: memref<32x64xi32, #tpu.memory_space<hbm>>, %arg4: memref<32x64xi32, #tpu.memory_space<hbm>>, %arg5: memref<2048x1024xf32, #tpu.memory_space<hbm>>, %arg6: memref<2048x1024xf32, #tpu.memory_space<hbm>>, %arg7: memref<64xi32, #tpu.memory_space<vmem>>, %arg8: memref<64x1024xf32, #tpu.memory_space<vmem>>, %arg9: memref<!tpu.dma_semaphore, #tpu.memory_space<semaphore_mem>>) attributes {dimension_semantics = [#tpu.dimension_semantics<core_parallel>, #tpu.dimension_semantics<subcore_parallel>], iteration_bounds = array<i64: 2, 16>, scalar_prefetch = 0 : i64, scratch_operands = 3 : i64, tpu.core_type = #tpu.core_type<sc_vector_subcore>, window_params = [{transform_indices = #map}, {transform_indices = #map}, {transform_indices = #map}, {transform_indices = #map}, {transform_indices = #map}]} {
    %mul3A = arith.constant 2 : i32
    %mul3A_0 = arith.muli %arg1, %mul3A : i32
    %add3A = arith.addi %mul3A_0, %arg0 : i32
    "tpu.region"() ({
      %run_scoped3A = tpu.sem_alloc : memref<!tpu.dma_semaphore, #tpu.memory_space<semaphore_mem>>
      %dma_start3A_15 = arith.constant 0 : i32
      %dma_start3A_16 = tpu.memref_slice %arg3[%add3A, %dma_start3A_15] : memref<32x64xi32, #tpu.memory_space<hbm>> -> memref<1x64xi32, #tpu.memory_space<hbm>>
      %dma_start3A_17 = tpu.memref_squeeze %dma_start3A_16 : memref<1x64xi32, #tpu.memory_space<hbm>> -> memref<64xi32, #tpu.memory_space<hbm>>
      %dma_start3A_18 = arith.constant 0 : i32
      %dma_start3A_19 = tpu.memref_slice %arg3[%add3A, %dma_start3A_18] : memref<32x64xi32, #tpu.memory_space<hbm>> -> memref<1x64xi32, #tpu.memory_space<hbm>>
      %dma_start3A_20 = tpu.memref_squeeze %dma_start3A_19 : memref<1x64xi32, #tpu.memory_space<hbm>> -> memref<64xi32, #tpu.memory_space<hbm>>
      tpu.enqueue_dma source(%dma_start3A_20 : memref<64xi32, #tpu.memory_space<hbm>>) target(%arg7 : memref<64xi32, #tpu.memory_space<vmem>>) target_semaphore(%run_scoped3A : memref<!tpu.dma_semaphore, #tpu.memory_space<semaphore_mem>>)
      %dma_wait3A_21 = arith.constant 0 : i32
      %dma_wait3A_22 = tpu.memref_slice %arg3[%add3A, %dma_wait3A_21] : memref<32x64xi32, #tpu.memory_space<hbm>> -> memref<1x64xi32, #tpu.memory_space<hbm>>
      %dma_wait3A_23 = tpu.memref_squeeze %dma_wait3A_22 : memref<1x64xi32, #tpu.memory_space<hbm>> -> memref<64xi32, #tpu.memory_space<hbm>>
      %dma_wait3A_24 = arith.constant 0 : i32
      %dma_wait3A_25 = tpu.memref_slice %arg3[%add3A, %dma_wait3A_24] : memref<32x64xi32, #tpu.memory_space<hbm>> -> memref<1x64xi32, #tpu.memory_space<hbm>>
      %dma_wait3A_26 = tpu.memref_squeeze %dma_wait3A_25 : memref<1x64xi32, #tpu.memory_space<hbm>> -> memref<64xi32, #tpu.memory_space<hbm>>
      tpu.wait_dma2 semaphore(%run_scoped3A : memref<!tpu.dma_semaphore, #tpu.memory_space<semaphore_mem>>) src(%dma_wait3A_26 : memref<64xi32, #tpu.memory_space<hbm>>) dst(%arg7 : memref<64xi32, #tpu.memory_space<vmem>>)
      tpu.yield
    }) : () -> ()
    %dma_start3A = arith.constant 0 : i32
    %dma_start3A_1 = arith.constant 0 : i32
    %dma_start3A_2 = tpu.memref_slice %arg2[%dma_start3A, %dma_start3A_1] : memref<5120x1024xf32, #tpu.memory_space<hbm>> -> memref<5120x1024xf32, #tpu.memory_space<hbm>>
    tpu.enqueue_indirect_dma source(%dma_start3A_2 : memref<5120x1024xf32, #tpu.memory_space<hbm>>) target(%arg8 : memref<64x1024xf32, #tpu.memory_space<vmem>>) offsets(%arg7 : memref<64xi32, #tpu.memory_space<vmem>>) semaphore(%arg9 : memref<!tpu.dma_semaphore, #tpu.memory_space<semaphore_mem>>)
    %dma_wait3A = arith.constant 0 : i32
    %dma_wait3A_3 = arith.constant 0 : i32
    %dma_wait3A_4 = tpu.memref_slice %arg2[%dma_wait3A, %dma_wait3A_3] : memref<5120x1024xf32, #tpu.memory_space<hbm>> -> memref<5120x1024xf32, #tpu.memory_space<hbm>>
    tpu.wait_indirect_dma semaphore(%arg9 : memref<!tpu.dma_semaphore, #tpu.memory_space<semaphore_mem>>) src(%dma_wait3A_4 : memref<5120x1024xf32, #tpu.memory_space<hbm>>) dst(%arg8 : memref<64x1024xf32, #tpu.memory_space<vmem>>)
    %mul3A_5 = arith.constant 64 : i32
    %mul3A_6 = arith.muli %add3A, %mul3A_5 : i32
    "tpu.region"() ({
      %run_scoped3A = tpu.sem_alloc : memref<!tpu.dma_semaphore, #tpu.memory_space<semaphore_mem>>
      %dma_start3A_15 = arith.constant 0 : i32
      %dma_start3A_16 = tpu.memref_slice %arg5[%mul3A_6, %dma_start3A_15] : memref<2048x1024xf32, #tpu.memory_space<hbm>> -> memref<64x1024xf32, #tpu.memory_space<hbm>>
      %dma_start3A_17 = arith.constant 0 : i32
      %dma_start3A_18 = tpu.memref_slice %arg5[%mul3A_6, %dma_start3A_17] : memref<2048x1024xf32, #tpu.memory_space<hbm>> -> memref<64x1024xf32, #tpu.memory_space<hbm>>
      tpu.enqueue_dma source(%arg8 : memref<64x1024xf32, #tpu.memory_space<vmem>>) target(%dma_start3A_18 : memref<64x1024xf32, #tpu.memory_space<hbm>>) target_semaphore(%run_scoped3A : memref<!tpu.dma_semaphore, #tpu.memory_space<semaphore_mem>>)
      %dma_wait3A_19 = arith.constant 0 : i32
      %dma_wait3A_20 = tpu.memref_slice %arg5[%mul3A_6, %dma_wait3A_19] : memref<2048x1024xf32, #tpu.memory_space<hbm>> -> memref<64x1024xf32, #tpu.memory_space<hbm>>
      %dma_wait3A_21 = arith.constant 0 : i32
      %dma_wait3A_22 = tpu.memref_slice %arg5[%mul3A_6, %dma_wait3A_21] : memref<2048x1024xf32, #tpu.memory_space<hbm>> -> memref<64x1024xf32, #tpu.memory_space<hbm>>
      tpu.wait_dma2 semaphore(%run_scoped3A : memref<!tpu.dma_semaphore, #tpu.memory_space<semaphore_mem>>) src(%arg8 : memref<64x1024xf32, #tpu.memory_space<vmem>>) dst(%dma_wait3A_22 : memref<64x1024xf32, #tpu.memory_space<hbm>>)
      tpu.yield
    }) : () -> ()
    "tpu.region"() ({
      %run_scoped3A = tpu.sem_alloc : memref<!tpu.dma_semaphore, #tpu.memory_space<semaphore_mem>>
      %dma_start3A_15 = arith.constant 0 : i32
      %dma_start3A_16 = tpu.memref_slice %arg4[%add3A, %dma_start3A_15] : memref<32x64xi32, #tpu.memory_space<hbm>> -> memref<1x64xi32, #tpu.memory_space<hbm>>
      %dma_start3A_17 = tpu.memref_squeeze %dma_start3A_16 : memref<1x64xi32, #tpu.memory_space<hbm>> -> memref<64xi32, #tpu.memory_space<hbm>>
      %dma_start3A_18 = arith.constant 0 : i32
      %dma_start3A_19 = tpu.memref_slice %arg4[%add3A, %dma_start3A_18] : memref<32x64xi32, #tpu.memory_space<hbm>> -> memref<1x64xi32, #tpu.memory_space<hbm>>
      %dma_start3A_20 = tpu.memref_squeeze %dma_start3A_19 : memref<1x64xi32, #tpu.memory_space<hbm>> -> memref<64xi32, #tpu.memory_space<hbm>>
      tpu.enqueue_dma source(%dma_start3A_20 : memref<64xi32, #tpu.memory_space<hbm>>) target(%arg7 : memref<64xi32, #tpu.memory_space<vmem>>) target_semaphore(%run_scoped3A : memref<!tpu.dma_semaphore, #tpu.memory_space<semaphore_mem>>)
      %dma_wait3A_21 = arith.constant 0 : i32
      %dma_wait3A_22 = tpu.memref_slice %arg4[%add3A, %dma_wait3A_21] : memref<32x64xi32, #tpu.memory_space<hbm>> -> memref<1x64xi32, #tpu.memory_space<hbm>>
      %dma_wait3A_23 = tpu.memref_squeeze %dma_wait3A_22 : memref<1x64xi32, #tpu.memory_space<hbm>> -> memref<64xi32, #tpu.memory_space<hbm>>
      %dma_wait3A_24 = arith.constant 0 : i32
      %dma_wait3A_25 = tpu.memref_slice %arg4[%add3A, %dma_wait3A_24] : memref<32x64xi32, #tpu.memory_space<hbm>> -> memref<1x64xi32, #tpu.memory_space<hbm>>
      %dma_wait3A_26 = tpu.memref_squeeze %dma_wait3A_25 : memref<1x64xi32, #tpu.memory_space<hbm>> -> memref<64xi32, #tpu.memory_space<hbm>>
      tpu.wait_dma2 semaphore(%run_scoped3A : memref<!tpu.dma_semaphore, #tpu.memory_space<semaphore_mem>>) src(%dma_wait3A_26 : memref<64xi32, #tpu.memory_space<hbm>>) dst(%arg7 : memref<64xi32, #tpu.memory_space<vmem>>)
      tpu.yield
    }) : () -> ()
    %dma_start3A_7 = arith.constant 0 : i32
    %dma_start3A_8 = arith.constant 0 : i32
    %dma_start3A_9 = tpu.memref_slice %arg2[%dma_start3A_7, %dma_start3A_8] : memref<5120x1024xf32, #tpu.memory_space<hbm>> -> memref<5120x1024xf32, #tpu.memory_space<hbm>>
    tpu.enqueue_indirect_dma source(%dma_start3A_9 : memref<5120x1024xf32, #tpu.memory_space<hbm>>) target(%arg8 : memref<64x1024xf32, #tpu.memory_space<vmem>>) offsets(%arg7 : memref<64xi32, #tpu.memory_space<vmem>>) semaphore(%arg9 : memref<!tpu.dma_semaphore, #tpu.memory_space<semaphore_mem>>)
    %dma_wait3A_10 = arith.constant 0 : i32
    %dma_wait3A_11 = arith.constant 0 : i32
    %dma_wait3A_12 = tpu.memref_slice %arg2[%dma_wait3A_10, %dma_wait3A_11] : memref<5120x1024xf32, #tpu.memory_space<hbm>> -> memref<5120x1024xf32, #tpu.memory_space<hbm>>
    tpu.wait_indirect_dma semaphore(%arg9 : memref<!tpu.dma_semaphore, #tpu.memory_space<semaphore_mem>>) src(%dma_wait3A_12 : memref<5120x1024xf32, #tpu.memory_space<hbm>>) dst(%arg8 : memref<64x1024xf32, #tpu.memory_space<vmem>>)
    %mul3A_13 = arith.constant 64 : i32
    %mul3A_14 = arith.muli %add3A, %mul3A_13 : i32
    "tpu.region"() ({
      %run_scoped3A = tpu.sem_alloc : memref<!tpu.dma_semaphore, #tpu.memory_space<semaphore_mem>>
      %dma_start3A_15 = arith.constant 0 : i32
      %dma_start3A_16 = tpu.memref_slice %arg6[%mul3A_14, %dma_start3A_15] : memref<2048x1024xf32, #tpu.memory_space<hbm>> -> memref<64x1024xf32, #tpu.memory_space<hbm>>
      %dma_start3A_17 = arith.constant 0 : i32
      %dma_start3A_18 = tpu.memref_slice %arg6[%mul3A_14, %dma_start3A_17] : memref<2048x1024xf32, #tpu.memory_space<hbm>> -> memref<64x1024xf32, #tpu.memory_space<hbm>>
      tpu.enqueue_dma source(%arg8 : memref<64x1024xf32, #tpu.memory_space<vmem>>) target(%dma_start3A_18 : memref<64x1024xf32, #tpu.memory_space<hbm>>) target_semaphore(%run_scoped3A : memref<!tpu.dma_semaphore, #tpu.memory_space<semaphore_mem>>)
      %dma_wait3A_19 = arith.constant 0 : i32
      %dma_wait3A_20 = tpu.memref_slice %arg6[%mul3A_14, %dma_wait3A_19] : memref<2048x1024xf32, #tpu.memory_space<hbm>> -> memref<64x1024xf32, #tpu.memory_space<hbm>>
      %dma_wait3A_21 = arith.constant 0 : i32
      %dma_wait3A_22 = tpu.memref_slice %arg6[%mul3A_14, %dma_wait3A_21] : memref<2048x1024xf32, #tpu.memory_space<hbm>> -> memref<64x1024xf32, #tpu.memory_space<hbm>>
      tpu.wait_dma2 semaphore(%run_scoped3A : memref<!tpu.dma_semaphore, #tpu.memory_space<semaphore_mem>>) src(%arg8 : memref<64x1024xf32, #tpu.memory_space<vmem>>) dst(%dma_wait3A_22 : memref<64x1024xf32, #tpu.memory_space<hbm>>)
      tpu.yield
    }) : () -> ()
    return
  }
}

#map = affine_map<(d0, d1) -> (0, 0)>
#map1 = affine_map<(d0, d1) -> (0, 0, 0)>
module attributes {stable_mosaic.version = 14 : i64} {
  func.func @k(%arg0: i32, %arg1: i32, %arg2: memref<2048x1024xf32, #tpu.memory_space<hbm>>, %arg3: memref<32x2x64xi32, #tpu.memory_space<hbm>>, %arg4: memref<5120x1024xf32, #tpu.memory_space<hbm>>, %arg5: memref<2x64xi32, #tpu.memory_space<vmem>>, %arg6: memref<64x1024xf32, #tpu.memory_space<vmem>>, %arg7: memref<!tpu.dma_semaphore, #tpu.memory_space<semaphore_mem>>) attributes {dimension_semantics = [#tpu.dimension_semantics<core_parallel>, #tpu.dimension_semantics<subcore_parallel>], iteration_bounds = array<i64: 2, 16>, scalar_prefetch = 0 : i64, scratch_operands = 3 : i64, tpu.core_type = #tpu.core_type<sc_vector_subcore>, window_params = [{transform_indices = #map}, {transform_indices = #map1}, {transform_indices = #map}]} {
    %mul3A = arith.constant 2 : i32
    %mul3A_0 = arith.muli %arg1, %mul3A : i32
    %add3A = arith.addi %mul3A_0, %arg0 : i32
    "tpu.region"() ({
      %run_scoped3A = tpu.sem_alloc : memref<!tpu.dma_semaphore, #tpu.memory_space<semaphore_mem>>
      %dma_start3A_38 = arith.constant 0 : i32
      %dma_start3A_39 = arith.constant 0 : i32
      %dma_start3A_40 = tpu.memref_slice %arg3[%add3A, %dma_start3A_38, %dma_start3A_39] : memref<32x2x64xi32, #tpu.memory_space<hbm>> -> memref<1x2x64xi32, #tpu.memory_space<hbm>>
      %dma_start3A_41 = tpu.memref_squeeze %dma_start3A_40 : memref<1x2x64xi32, #tpu.memory_space<hbm>> -> memref<2x64xi32, #tpu.memory_space<hbm>>
      %dma_start3A_42 = arith.constant 0 : i32
      %dma_start3A_43 = arith.constant 0 : i32
      %dma_start3A_44 = tpu.memref_slice %arg3[%add3A, %dma_start3A_42, %dma_start3A_43] : memref<32x2x64xi32, #tpu.memory_space<hbm>> -> memref<1x2x64xi32, #tpu.memory_space<hbm>>
      %dma_start3A_45 = tpu.memref_squeeze %dma_start3A_44 : memref<1x2x64xi32, #tpu.memory_space<hbm>> -> memref<2x64xi32, #tpu.memory_space<hbm>>
      tpu.enqueue_dma source(%dma_start3A_45 : memref<2x64xi32, #tpu.memory_space<hbm>>) target(%arg5 : memref<2x64xi32, #tpu.memory_space<vmem>>) target_semaphore(%run_scoped3A : memref<!tpu.dma_semaphore, #tpu.memory_space<semaphore_mem>>)
      %dma_wait3A_46 = arith.constant 0 : i32
      %dma_wait3A_47 = arith.constant 0 : i32
      %dma_wait3A_48 = tpu.memref_slice %arg3[%add3A, %dma_wait3A_46, %dma_wait3A_47] : memref<32x2x64xi32, #tpu.memory_space<hbm>> -> memref<1x2x64xi32, #tpu.memory_space<hbm>>
      %dma_wait3A_49 = tpu.memref_squeeze %dma_wait3A_48 : memref<1x2x64xi32, #tpu.memory_space<hbm>> -> memref<2x64xi32, #tpu.memory_space<hbm>>
      %dma_wait3A_50 = arith.constant 0 : i32
      %dma_wait3A_51 = arith.constant 0 : i32
      %dma_wait3A_52 = tpu.memref_slice %arg3[%add3A, %dma_wait3A_50, %dma_wait3A_51] : memref<32x2x64xi32, #tpu.memory_space<hbm>> -> memref<1x2x64xi32, #tpu.memory_space<hbm>>
      %dma_wait3A_53 = tpu.memref_squeeze %dma_wait3A_52 : memref<1x2x64xi32, #tpu.memory_space<hbm>> -> memref<2x64xi32, #tpu.memory_space<hbm>>
      tpu.wait_dma2 semaphore(%run_scoped3A : memref<!tpu.dma_semaphore, #tpu.memory_space<semaphore_mem>>) src(%dma_wait3A_53 : memref<2x64xi32, #tpu.memory_space<hbm>>) dst(%arg5 : memref<2x64xi32, #tpu.memory_space<vmem>>)
      tpu.yield
    }) : () -> ()
    %mul3A_1 = arith.constant 128 : i32
    %mul3A_2 = arith.muli %add3A, %mul3A_1 : i32
    %add3A_3 = arith.constant 0 : i32
    %add3A_4 = arith.addi %mul3A_2, %add3A_3 : i32
    %rem3A = arith.constant 2048 : i32
    %rem3A_5 = arith.remsi %add3A_4, %rem3A : i32
    "tpu.region"() ({
      %run_scoped3A = tpu.sem_alloc : memref<!tpu.dma_semaphore, #tpu.memory_space<semaphore_mem>>
      %dma_start3A_38 = arith.constant 0 : i32
      %dma_start3A_39 = tpu.memref_slice %arg2[%rem3A_5, %dma_start3A_38] : memref<2048x1024xf32, #tpu.memory_space<hbm>> -> memref<64x1024xf32, #tpu.memory_space<hbm>>
      %dma_start3A_40 = arith.constant 0 : i32
      %dma_start3A_41 = tpu.memref_slice %arg2[%rem3A_5, %dma_start3A_40] : memref<2048x1024xf32, #tpu.memory_space<hbm>> -> memref<64x1024xf32, #tpu.memory_space<hbm>>
      tpu.enqueue_dma source(%dma_start3A_41 : memref<64x1024xf32, #tpu.memory_space<hbm>>) target(%arg6 : memref<64x1024xf32, #tpu.memory_space<vmem>>) target_semaphore(%run_scoped3A : memref<!tpu.dma_semaphore, #tpu.memory_space<semaphore_mem>>)
      %dma_wait3A_42 = arith.constant 0 : i32
      %dma_wait3A_43 = tpu.memref_slice %arg2[%rem3A_5, %dma_wait3A_42] : memref<2048x1024xf32, #tpu.memory_space<hbm>> -> memref<64x1024xf32, #tpu.memory_space<hbm>>
      %dma_wait3A_44 = arith.constant 0 : i32
      %dma_wait3A_45 = tpu.memref_slice %arg2[%rem3A_5, %dma_wait3A_44] : memref<2048x1024xf32, #tpu.memory_space<hbm>> -> memref<64x1024xf32, #tpu.memory_space<hbm>>
      tpu.wait_dma2 semaphore(%run_scoped3A : memref<!tpu.dma_semaphore, #tpu.memory_space<semaphore_mem>>) src(%dma_wait3A_45 : memref<64x1024xf32, #tpu.memory_space<hbm>>) dst(%arg6 : memref<64x1024xf32, #tpu.memory_space<vmem>>)
      tpu.yield
    }) : () -> ()
    %dma_start3A = arith.constant 0 : i32
    %dma_start3A_6 = arith.constant 0 : i32
    %dma_start3A_7 = tpu.memref_slice %arg5[%dma_start3A, %dma_start3A_6] : memref<2x64xi32, #tpu.memory_space<vmem>> -> memref<1x64xi32, #tpu.memory_space<vmem>>
    %dma_start3A_8 = tpu.memref_squeeze %dma_start3A_7 : memref<1x64xi32, #tpu.memory_space<vmem>> -> memref<64xi32, #tpu.memory_space<vmem>>
    %dma_start3A_9 = arith.constant 0 : i32
    %dma_start3A_10 = arith.constant 0 : i32
    %dma_start3A_11 = tpu.memref_slice %arg4[%dma_start3A_9, %dma_start3A_10] : memref<5120x1024xf32, #tpu.memory_space<hbm>> -> memref<5120x1024xf32, #tpu.memory_space<hbm>>
    tpu.enqueue_indirect_dma source(%arg6 : memref<64x1024xf32, #tpu.memory_space<vmem>>) target(%dma_start3A_11 : memref<5120x1024xf32, #tpu.memory_space<hbm>>) offsets(%dma_start3A_8 : memref<64xi32, #tpu.memory_space<vmem>>) semaphore(%arg7 : memref<!tpu.dma_semaphore, #tpu.memory_space<semaphore_mem>>)
    %dma_wait3A = arith.constant 0 : i32
    %dma_wait3A_12 = arith.constant 0 : i32
    %dma_wait3A_13 = tpu.memref_slice %arg5[%dma_wait3A, %dma_wait3A_12] : memref<2x64xi32, #tpu.memory_space<vmem>> -> memref<1x64xi32, #tpu.memory_space<vmem>>
    %dma_wait3A_14 = tpu.memref_squeeze %dma_wait3A_13 : memref<1x64xi32, #tpu.memory_space<vmem>> -> memref<64xi32, #tpu.memory_space<vmem>>
    %dma_wait3A_15 = arith.constant 0 : i32
    %dma_wait3A_16 = arith.constant 0 : i32
    %dma_wait3A_17 = tpu.memref_slice %arg4[%dma_wait3A_15, %dma_wait3A_16] : memref<5120x1024xf32, #tpu.memory_space<hbm>> -> memref<5120x1024xf32, #tpu.memory_space<hbm>>
    tpu.wait_indirect_dma semaphore(%arg7 : memref<!tpu.dma_semaphore, #tpu.memory_space<semaphore_mem>>) src(%arg6 : memref<64x1024xf32, #tpu.memory_space<vmem>>) dst(%dma_wait3A_17 : memref<5120x1024xf32, #tpu.memory_space<hbm>>)
    %mul3A_18 = arith.constant 128 : i32
    %mul3A_19 = arith.muli %add3A, %mul3A_18 : i32
    %add3A_20 = arith.constant 64 : i32
    %add3A_21 = arith.addi %mul3A_19, %add3A_20 : i32
    %rem3A_22 = arith.constant 2048 : i32
    %rem3A_23 = arith.remsi %add3A_21, %rem3A_22 : i32
    "tpu.region"() ({
      %run_scoped3A = tpu.sem_alloc : memref<!tpu.dma_semaphore, #tpu.memory_space<semaphore_mem>>
      %dma_start3A_38 = arith.constant 0 : i32
      %dma_start3A_39 = tpu.memref_slice %arg2[%rem3A_23, %dma_start3A_38] : memref<2048x1024xf32, #tpu.memory_space<hbm>> -> memref<64x1024xf32, #tpu.memory_space<hbm>>
      %dma_start3A_40 = arith.constant 0 : i32
      %dma_start3A_41 = tpu.memref_slice %arg2[%rem3A_23, %dma_start3A_40] : memref<2048x1024xf32, #tpu.memory_space<hbm>> -> memref<64x1024xf32, #tpu.memory_space<hbm>>
      tpu.enqueue_dma source(%dma_start3A_41 : memref<64x1024xf32, #tpu.memory_space<hbm>>) target(%arg6 : memref<64x1024xf32, #tpu.memory_space<vmem>>) target_semaphore(%run_scoped3A : memref<!tpu.dma_semaphore, #tpu.memory_space<semaphore_mem>>)
      %dma_wait3A_42 = arith.constant 0 : i32
      %dma_wait3A_43 = tpu.memref_slice %arg2[%rem3A_23, %dma_wait3A_42] : memref<2048x1024xf32, #tpu.memory_space<hbm>> -> memref<64x1024xf32, #tpu.memory_space<hbm>>
      %dma_wait3A_44 = arith.constant 0 : i32
      %dma_wait3A_45 = tpu.memref_slice %arg2[%rem3A_23, %dma_wait3A_44] : memref<2048x1024xf32, #tpu.memory_space<hbm>> -> memref<64x1024xf32, #tpu.memory_space<hbm>>
      tpu.wait_dma2 semaphore(%run_scoped3A : memref<!tpu.dma_semaphore, #tpu.memory_space<semaphore_mem>>) src(%dma_wait3A_45 : memref<64x1024xf32, #tpu.memory_space<hbm>>) dst(%arg6 : memref<64x1024xf32, #tpu.memory_space<vmem>>)
      tpu.yield
    }) : () -> ()
    %dma_start3A_24 = arith.constant 1 : i32
    %dma_start3A_25 = arith.constant 0 : i32
    %dma_start3A_26 = tpu.memref_slice %arg5[%dma_start3A_24, %dma_start3A_25] : memref<2x64xi32, #tpu.memory_space<vmem>> -> memref<1x64xi32, #tpu.memory_space<vmem>>
    %dma_start3A_27 = tpu.memref_squeeze %dma_start3A_26 : memref<1x64xi32, #tpu.memory_space<vmem>> -> memref<64xi32, #tpu.memory_space<vmem>>
    %dma_start3A_28 = arith.constant 0 : i32
    %dma_start3A_29 = arith.constant 0 : i32
    %dma_start3A_30 = tpu.memref_slice %arg4[%dma_start3A_28, %dma_start3A_29] : memref<5120x1024xf32, #tpu.memory_space<hbm>> -> memref<5120x1024xf32, #tpu.memory_space<hbm>>
    tpu.enqueue_indirect_dma source(%arg6 : memref<64x1024xf32, #tpu.memory_space<vmem>>) target(%dma_start3A_30 : memref<5120x1024xf32, #tpu.memory_space<hbm>>) offsets(%dma_start3A_27 : memref<64xi32, #tpu.memory_space<vmem>>) semaphore(%arg7 : memref<!tpu.dma_semaphore, #tpu.memory_space<semaphore_mem>>)
    %dma_wait3A_31 = arith.constant 1 : i32
    %dma_wait3A_32 = arith.constant 0 : i32
    %dma_wait3A_33 = tpu.memref_slice %arg5[%dma_wait3A_31, %dma_wait3A_32] : memref<2x64xi32, #tpu.memory_space<vmem>> -> memref<1x64xi32, #tpu.memory_space<vmem>>
    %dma_wait3A_34 = tpu.memref_squeeze %dma_wait3A_33 : memref<1x64xi32, #tpu.memory_space<vmem>> -> memref<64xi32, #tpu.memory_space<vmem>>
    %dma_wait3A_35 = arith.constant 0 : i32
    %dma_wait3A_36 = arith.constant 0 : i32
    %dma_wait3A_37 = tpu.memref_slice %arg4[%dma_wait3A_35, %dma_wait3A_36] : memref<5120x1024xf32, #tpu.memory_space<hbm>> -> memref<5120x1024xf32, #tpu.memory_space<hbm>>
    tpu.wait_indirect_dma semaphore(%arg7 : memref<!tpu.dma_semaphore, #tpu.memory_space<semaphore_mem>>) src(%arg6 : memref<64x1024xf32, #tpu.memory_space<vmem>>) dst(%dma_wait3A_37 : memref<5120x1024xf32, #tpu.memory_space<hbm>>)
    return
  }
}

module attributes {stable_mosaic.version = 14 : i64} {
  func.func @_ggemm_body(%arg0: i32, %arg1: memref<40xi32, #tpu.memory_space<smem>>, %arg2: memref<40xi32, #tpu.memory_space<smem>>, %arg3: memref<128x1024xf32, #tpu.memory_space<vmem>>, %arg4: memref<1x1024x512xf32, #tpu.memory_space<vmem>>, %arg5: memref<1x512x1024xf32, #tpu.memory_space<vmem>>, %arg6: memref<1x1024x512xf32, #tpu.memory_space<vmem>>, %arg7: memref<128x1024xf32, #tpu.memory_space<vmem>>) attributes {dimension_semantics = [#tpu.dimension_semantics<arbitrary>], iteration_bounds = array<i64: 40>, scalar_prefetch = 2 : i64, scratch_operands = 0 : i64, tpu.core_type = #tpu.core_type<tc>, window_params = [{transform_indices = @transform_0, window_bounds = array<i64: 128, 1024>}, {transform_indices = @transform_1, window_bounds = array<i64: 1, 1024, 512>}, {transform_indices = @transform_2, window_bounds = array<i64: 1, 512, 1024>}, {transform_indices = @transform_3, window_bounds = array<i64: 1, 1024, 512>}, {transform_indices = @transform_4, window_bounds = array<i64: 128, 1024>}]} {
    %get3A = arith.index_cast %arg0 : i32 to index
    %get3A_0 = memref.load %arg2[%get3A] : memref<40xi32, #tpu.memory_space<smem>>
    %eq3A = arith.constant 1 : i32
    %eq3A_1 = arith.cmpi eq, %get3A_0, %eq3A : i32
    %convert_element_type3A = arith.extui %eq3A_1 : i1 to i32
    %cond3A = arith.constant 0 : i32
    %cond3A_2 = arith.cmpi ne, %convert_element_type3A, %cond3A : i32
    scf.if %cond3A_2 {
      %get3A_3 = arith.constant 0 : index
      %get3A_4 = arith.constant 0 : index
      %get3A_5 = vector.load %arg3[%get3A_3, %get3A_4] : memref<128x1024xf32, #tpu.memory_space<vmem>>, vector<128x1024xf32>
      %get3A_6 = arith.constant 0 : index
      %get3A_7 = arith.constant 0 : index
      %get3A_8 = arith.constant 0 : index
      %get3A_9 = vector.load %arg4[%get3A_6, %get3A_7, %get3A_8] : memref<1x1024x512xf32, #tpu.memory_space<vmem>>, vector<1x1024x512xf32>
      %get3A_10 = vector.shape_cast %get3A_9 : vector<1x1024x512xf32> to vector<1024x512xf32>
      %dot_general3A = arith.constant dense<0.000000e+00> : vector<128x512xf32>
      %dot_general3A_11 = tpu.matmul %get3A_5, %get3A_10, %dot_general3A {dimension_numbers = #tpu.dot_dimension_numbers<[1], [0], [0], [1], [0, 0, 1, 1], [], []>, transpose_lhs_hint = false} : vector<128x1024xf32>, vector<1024x512xf32>, vector<128x512xf32> -> vector<128x512xf32>
      %get3A_12 = arith.constant 0 : index
      %get3A_13 = arith.constant 0 : index
      %get3A_14 = arith.constant 0 : index
      %get3A_15 = vector.load %arg6[%get3A_12, %get3A_13, %get3A_14] : memref<1x1024x512xf32, #tpu.memory_space<vmem>>, vector<1x1024x512xf32>
      %get3A_16 = vector.shape_cast %get3A_15 : vector<1x1024x512xf32> to vector<1024x512xf32>
      %dot_general3A_17 = arith.constant dense<0.000000e+00> : vector<128x512xf32>
      %dot_general3A_18 = tpu.matmul %get3A_5, %get3A_16, %dot_general3A_17 {dimension_numbers = #tpu.dot_dimension_numbers<[1], [0], [0], [1], [0, 0, 1, 1], [], []>, transpose_lhs_hint = false} : vector<128x1024xf32>, vector<1024x512xf32>, vector<128x512xf32> -> vector<128x512xf32>
      %logistic3A = arith.negf %dot_general3A_11 : vector<128x512xf32>
      %logistic3A_19 = math.exp %logistic3A : vector<128x512xf32>
      %logistic3A_20 = arith.constant 1.000000e+00 : f32
      %logistic3A_21 = vector.broadcast %logistic3A_20 : f32 to vector<128x512xf32>
      %logistic3A_22 = arith.addf %logistic3A_21, %logistic3A_19 : vector<128x512xf32>
      %logistic3A_23 = arith.divf %logistic3A_21, %logistic3A_22 : vector<128x512xf32>
      %mul3A = arith.mulf %dot_general3A_11, %logistic3A_23 : vector<128x512xf32>
      %mul3A_24 = arith.mulf %mul3A, %dot_general3A_18 : vector<128x512xf32>
      %get3A_25 = arith.constant 0 : index
      %get3A_26 = arith.constant 0 : index
      %get3A_27 = arith.constant 0 : index
      %get3A_28 = vector.load %arg5[%get3A_25, %get3A_26, %get3A_27] : memref<1x512x1024xf32, #tpu.memory_space<vmem>>, vector<1x512x1024xf32>
      %get3A_29 = vector.shape_cast %get3A_28 : vector<1x512x1024xf32> to vector<512x1024xf32>
      %dot_general3A_30 = arith.constant dense<0.000000e+00> : vector<128x1024xf32>
      %dot_general3A_31 = tpu.matmul %mul3A_24, %get3A_29, %dot_general3A_30 {dimension_numbers = #tpu.dot_dimension_numbers<[1], [0], [0], [1], [0, 0, 1, 1], [], []>, transpose_lhs_hint = false} : vector<128x512xf32>, vector<512x1024xf32>, vector<128x1024xf32> -> vector<128x1024xf32>
      %swap3A = arith.constant 0 : index
      %swap3A_32 = arith.constant 0 : index
      %swap3A_33 = vector.load %arg7[%swap3A, %swap3A_32] : memref<128x1024xf32, #tpu.memory_space<vmem>>, vector<128x1024xf32>
      tpu.vector_store %arg7[%swap3A, %swap3A_32], %dot_general3A_31 {strides = array<i32>} : memref<128x1024xf32, #tpu.memory_space<vmem>>, vector<128x1024xf32>,
    } else {
    }
    return
  }
  func.func @transform_0(%arg0: i32, %arg1: memref<40xi32, #tpu.memory_space<smem>>, %arg2: memref<40xi32, #tpu.memory_space<smem>>) -> (i32, i32) {
    %c0_i32 = arith.constant 0 : i32
    %c0_i32_0 = arith.constant 0 : i32
    return %arg0, %c0_i32 : i32, i32
  }
  func.func @transform_1(%arg0: i32, %arg1: memref<40xi32, #tpu.memory_space<smem>>, %arg2: memref<40xi32, #tpu.memory_space<smem>>) -> (i32, i32, i32) {
    %get3A = arith.index_cast %arg0 : i32 to index
    %get3A_0 = memref.load %arg1[%get3A] : memref<40xi32, #tpu.memory_space<smem>>
    %c0_i32 = arith.constant 0 : i32
    %c0_i32_1 = arith.constant 0 : i32
    %c0_i32_2 = arith.constant 0 : i32
    return %get3A_0, %c0_i32, %c0_i32_1 : i32, i32, i32
  }
  func.func @transform_2(%arg0: i32, %arg1: memref<40xi32, #tpu.memory_space<smem>>, %arg2: memref<40xi32, #tpu.memory_space<smem>>) -> (i32, i32, i32) {
    %get3A = arith.index_cast %arg0 : i32 to index
    %get3A_0 = memref.load %arg1[%get3A] : memref<40xi32, #tpu.memory_space<smem>>
    %c0_i32 = arith.constant 0 : i32
    %c0_i32_1 = arith.constant 0 : i32
    %c0_i32_2 = arith.constant 0 : i32
    return %get3A_0, %c0_i32, %c0_i32_1 : i32, i32, i32
  }
  func.func @transform_3(%arg0: i32, %arg1: memref<40xi32, #tpu.memory_space<smem>>, %arg2: memref<40xi32, #tpu.memory_space<smem>>) -> (i32, i32, i32) {
    %get3A = arith.index_cast %arg0 : i32 to index
    %get3A_0 = memref.load %arg1[%get3A] : memref<40xi32, #tpu.memory_space<smem>>
    %c0_i32 = arith.constant 0 : i32
    %c0_i32_1 = arith.constant 0 : i32
    %c0_i32_2 = arith.constant 0 : i32
    return %get3A_0, %c0_i32, %c0_i32_1 : i32, i32, i32
  }
  func.func @transform_4(%arg0: i32, %arg1: memref<40xi32, #tpu.memory_space<smem>>, %arg2: memref<40xi32, #tpu.memory_space<smem>>) -> (i32, i32) {
    %c0_i32 = arith.constant 0 : i32
    %c0_i32_0 = arith.constant 0 : i32
    return %arg0, %c0_i32 : i32, i32
  }
}

module attributes {stable_mosaic.version = 14 : i64} {
  func.func @_routing_body(%arg0: memref<2048x1024xf32, #tpu.memory_space<vmem>>, %arg1: memref<1024x8xf32, #tpu.memory_space<vmem>>, %arg2: memref<8x1024xf32, #tpu.memory_space<vmem>>, %arg3: memref<1x8xf32, #tpu.memory_space<vmem>>, %arg4: memref<8x1xf32, #tpu.memory_space<vmem>>, %arg5: memref<2048x1xf32, #tpu.memory_space<vmem>>, %arg6: memref<2048x1xf32, #tpu.memory_space<vmem>>, %arg7: memref<2x2048xi32, #tpu.memory_space<vmem>>, %arg8: memref<1x40xi32, #tpu.memory_space<vmem>>, %arg9: memref<1x40xi32, #tpu.memory_space<vmem>>) attributes {dimension_semantics = [], scalar_prefetch = 0 : i64, scratch_operands = 0 : i64, tpu.core_type = #tpu.core_type<tc>} {
    %get3A = arith.constant 0 : index
    %get3A_0 = arith.constant 0 : index
    %get3A_1 = vector.load %arg0[%get3A, %get3A_0] : memref<2048x1024xf32, #tpu.memory_space<vmem>>, vector<2048x1024xf32>
    %get3A_2 = arith.constant 0 : index
    %get3A_3 = arith.constant 0 : index
    %get3A_4 = vector.load %arg1[%get3A_2, %get3A_3] : memref<1024x8xf32, #tpu.memory_space<vmem>>, vector<1024x8xf32>
    %dot_general3A = arith.constant dense<0.000000e+00> : vector<2048x8xf32>
    %dot_general3A_5 = tpu.matmul %get3A_1, %get3A_4, %dot_general3A {dimension_numbers = #tpu.dot_dimension_numbers<[1], [0], [0], [1], [0, 0, 1, 1], [], []>, transpose_lhs_hint = false} : vector<2048x1024xf32>, vector<1024x8xf32>, vector<2048x8xf32> -> vector<2048x8xf32>
    %logistic3A = arith.negf %dot_general3A_5 : vector<2048x8xf32>
    %logistic3A_6 = math.exp %logistic3A : vector<2048x8xf32>
    %logistic3A_7 = arith.constant 1.000000e+00 : f32
    %logistic3A_8 = vector.broadcast %logistic3A_7 : f32 to vector<2048x8xf32>
    %logistic3A_9 = arith.addf %logistic3A_8, %logistic3A_6 : vector<2048x8xf32>
    %logistic3A_10 = arith.divf %logistic3A_8, %logistic3A_9 : vector<2048x8xf32>
    %get3A_11 = arith.constant 0 : index
    %get3A_12 = arith.constant 0 : index
    %get3A_13 = vector.load %arg3[%get3A_11, %get3A_12] : memref<1x8xf32, #tpu.memory_space<vmem>>, vector<1x8xf32>
    %add3A = vector.broadcast %get3A_13 : vector<1x8xf32> to vector<2048x8xf32>
    %add3A_14 = arith.addf %logistic3A_10, %add3A : vector<2048x8xf32>
    %iota3A = tpu.iota {dimensions = array<i32: 1>} : vector<2048x8xi32>
    %reduce_max3A = arith.constant dense<0xFF800000> : vector<2048xf32>
    %reduce_max3A_15 = vector.multi_reduction <maximumf>, %add3A_14, %reduce_max3A [1] : vector<2048x8xf32> to vector<2048xf32>
    %broadcast_in_dim3A = vector.shape_cast %reduce_max3A_15 : vector<2048xf32> to vector<2048x1xf32>
    %eq3A = vector.broadcast %broadcast_in_dim3A : vector<2048x1xf32> to vector<2048x8xf32>
    %eq3A_16 = arith.cmpf oeq, %add3A_14, %eq3A : vector<2048x8xf32>
    %jit3A = arith.constant 8 : i32
    %broadcast_in_dim3A_17 = vector.broadcast %jit3A : i32 to vector<2048x8xi32>
    %select_n3A = arith.select %eq3A_16, %iota3A, %broadcast_in_dim3A_17 : vector<2048x8xi1>, vector<2048x8xi32>
    %reduce_min3A = arith.constant dense<2147483647> : vector<2048xi32>
    %reduce_min3A_18 = vector.multi_reduction <minsi>, %select_n3A, %reduce_min3A [1] : vector<2048x8xi32> to vector<2048xi32>
    %broadcast_in_dim3A_19 = vector.shape_cast %reduce_min3A_18 : vector<2048xi32> to vector<2048x1xi32>
    %eq3A_20 = vector.broadcast %broadcast_in_dim3A_19 : vector<2048x1xi32> to vector<2048x8xi32>
    %eq3A_21 = arith.cmpi eq, %iota3A, %eq3A_20 : vector<2048x8xi32>
    %convert_element_type3A = arith.extui %eq3A_21 : vector<2048x8xi1> to vector<2048x8xi32>
    %convert_element_type3A_22 = arith.sitofp %convert_element_type3A : vector<2048x8xi32> to vector<2048x8xf32>
    %gt3A = arith.constant 0.000000e+00 : f32
    %gt3A_23 = vector.broadcast %gt3A : f32 to vector<2048x8xf32>
    %gt3A_24 = arith.cmpf ogt, %convert_element_type3A_22, %gt3A_23 : vector<2048x8xf32>
    %jit3A_25 = arith.constant 0xFF800000 : f32
    %broadcast_in_dim3A_26 = vector.broadcast %jit3A_25 : f32 to vector<2048x8xf32>
    %select_n3A_27 = arith.select %gt3A_24, %broadcast_in_dim3A_26, %add3A_14 : vector<2048x8xi1>, vector<2048x8xf32>
    %reduce_max3A_28 = arith.constant dense<0xFF800000> : vector<2048xf32>
    %reduce_max3A_29 = vector.multi_reduction <maximumf>, %select_n3A_27, %reduce_max3A_28 [1] : vector<2048x8xf32> to vector<2048xf32>
    %broadcast_in_dim3A_30 = vector.shape_cast %reduce_max3A_29 : vector<2048xf32> to vector<2048x1xf32>
    %eq3A_31 = vector.broadcast %broadcast_in_dim3A_30 : vector<2048x1xf32> to vector<2048x8xf32>
    %eq3A_32 = arith.cmpf oeq, %select_n3A_27, %eq3A_31 : vector<2048x8xf32>
    %jit3A_33 = arith.constant 8 : i32
    %broadcast_in_dim3A_34 = vector.broadcast %jit3A_33 : i32 to vector<2048x8xi32>
    %select_n3A_35 = arith.select %eq3A_32, %iota3A, %broadcast_in_dim3A_34 : vector<2048x8xi1>, vector<2048x8xi32>
    %reduce_min3A_36 = arith.constant dense<2147483647> : vector<2048xi32>
    %reduce_min3A_37 = vector.multi_reduction <minsi>, %select_n3A_35, %reduce_min3A_36 [1] : vector<2048x8xi32> to vector<2048xi32>
    %broadcast_in_dim3A_38 = vector.shape_cast %reduce_min3A_37 : vector<2048xi32> to vector<2048x1xi32>
    %eq3A_39 = vector.broadcast %broadcast_in_dim3A_38 : vector<2048x1xi32> to vector<2048x8xi32>
    %eq3A_40 = arith.cmpi eq, %iota3A, %eq3A_39 : vector<2048x8xi32>
    %convert_element_type3A_41 = arith.extui %eq3A_40 : vector<2048x8xi1> to vector<2048x8xi32>
    %convert_element_type3A_42 = arith.sitofp %convert_element_type3A_41 : vector<2048x8xi32> to vector<2048x8xf32>
    %mul3A = arith.mulf %convert_element_type3A_22, %logistic3A_10 : vector<2048x8xf32>
    %reduce_sum3A = arith.constant dense<0.000000e+00> : vector<2048xf32>
    %reduce_sum3A_43 = vector.multi_reduction <add>, %mul3A, %reduce_sum3A [1] : vector<2048x8xf32> to vector<2048xf32>
    %broadcast_in_dim3A_44 = vector.shape_cast %reduce_sum3A_43 : vector<2048xf32> to vector<2048x1xf32>
    %mul3A_45 = arith.mulf %convert_element_type3A_42, %logistic3A_10 : vector<2048x8xf32>
    %reduce_sum3A_46 = arith.constant dense<0.000000e+00> : vector<2048xf32>
    %reduce_sum3A_47 = vector.multi_reduction <add>, %mul3A_45, %reduce_sum3A_46 [1] : vector<2048x8xf32> to vector<2048xf32>
    %broadcast_in_dim3A_48 = vector.shape_cast %reduce_sum3A_47 : vector<2048xf32> to vector<2048x1xf32>
    %add3A_49 = arith.addf %broadcast_in_dim3A_44, %broadcast_in_dim3A_48 : vector<2048x1xf32>
    %add3A_50 = arith.constant 9.99999968E-21 : f32
    %add3A_51 = vector.broadcast %add3A_50 : f32 to vector<2048x1xf32>
    %add3A_52 = arith.addf %add3A_49, %add3A_51 : vector<2048x1xf32>
    %div3A = arith.divf %broadcast_in_dim3A_44, %add3A_52 : vector<2048x1xf32>
    %swap3A = arith.constant 0 : index
    %swap3A_53 = arith.constant 0 : index
    %swap3A_54 = vector.load %arg5[%swap3A, %swap3A_53] : memref<2048x1xf32, #tpu.memory_space<vmem>>, vector<2048x1xf32>
    tpu.vector_store %arg5[%swap3A, %swap3A_53], %div3A {strides = array<i32>} : memref<2048x1xf32, #tpu.memory_space<vmem>>, vector<2048x1xf32>,
    %div3A_55 = arith.divf %broadcast_in_dim3A_48, %add3A_52 : vector<2048x1xf32>
    %swap3A_56 = arith.constant 0 : index
    %swap3A_57 = arith.constant 0 : index
    %swap3A_58 = vector.load %arg6[%swap3A_56, %swap3A_57] : memref<2048x1xf32, #tpu.memory_space<vmem>>, vector<2048x1xf32>
    tpu.vector_store %arg6[%swap3A_56, %swap3A_57], %div3A_55 {strides = array<i32>} : memref<2048x1xf32, #tpu.memory_space<vmem>>, vector<2048x1xf32>,
    %get3A_59 = arith.constant 0 : index
    %get3A_60 = arith.constant 0 : index
    %get3A_61 = vector.load %arg2[%get3A_59, %get3A_60] : memref<8x1024xf32, #tpu.memory_space<vmem>>, vector<8x1024xf32>
    %dot_general3A_62 = arith.constant dense<0.000000e+00> : vector<8x2048xf32>
    %dot_general3A_63 = tpu.matmul %get3A_61, %get3A_1, %dot_general3A_62 {dimension_numbers = #tpu.dot_dimension_numbers<[1], [1], [0], [0], [0, 0, 1, 0], [], []>, transpose_lhs_hint = false} : vector<8x1024xf32>, vector<2048x1024xf32>, vector<8x2048xf32> -> vector<8x2048xf32>
    %logistic3A_64 = arith.negf %dot_general3A_63 : vector<8x2048xf32>
    %logistic3A_65 = math.exp %logistic3A_64 : vector<8x2048xf32>
    %logistic3A_66 = arith.constant 1.000000e+00 : f32
    %logistic3A_67 = vector.broadcast %logistic3A_66 : f32 to vector<8x2048xf32>
    %logistic3A_68 = arith.addf %logistic3A_67, %logistic3A_65 : vector<8x2048xf32>
    %logistic3A_69 = arith.divf %logistic3A_67, %logistic3A_68 : vector<8x2048xf32>
    %get3A_70 = arith.constant 0 : index
    %get3A_71 = arith.constant 0 : index
    %get3A_72 = vector.load %arg4[%get3A_70, %get3A_71] : memref<8x1xf32, #tpu.memory_space<vmem>>, vector<8x1xf32>
    %add3A_73 = vector.broadcast %get3A_72 : vector<8x1xf32> to vector<8x2048xf32>
    %add3A_74 = arith.addf %logistic3A_69, %add3A_73 : vector<8x2048xf32>
    %iota3A_75 = tpu.iota {dimensions = array<i32: 0>} : vector<8x2048xi32>
    %reduce_max3A_76 = arith.constant dense<0xFF800000> : vector<2048xf32>
    %reduce_max3A_77 = vector.multi_reduction <maximumf>, %add3A_74, %reduce_max3A_76 [0] : vector<8x2048xf32> to vector<2048xf32>
    %broadcast_in_dim3A_78 = vector.shape_cast %reduce_max3A_77 : vector<2048xf32> to vector<1x2048xf32>
    %eq3A_79 = vector.broadcast %broadcast_in_dim3A_78 : vector<1x2048xf32> to vector<8x2048xf32>
    %eq3A_80 = arith.cmpf oeq, %add3A_74, %eq3A_79 : vector<8x2048xf32>
    %jit3A_81 = arith.constant 8 : i32
    %broadcast_in_dim3A_82 = vector.broadcast %jit3A_81 : i32 to vector<8x2048xi32>
    %select_n3A_83 = arith.select %eq3A_80, %iota3A_75, %broadcast_in_dim3A_82 : vector<8x2048xi1>, vector<8x2048xi32>
    %reduce_min3A_84 = arith.constant dense<2147483647> : vector<2048xi32>
    %reduce_min3A_85 = vector.multi_reduction <minsi>, %select_n3A_83, %reduce_min3A_84 [0] : vector<8x2048xi32> to vector<2048xi32>
    %broadcast_in_dim3A_86 = vector.shape_cast %reduce_min3A_85 : vector<2048xi32> to vector<1x2048xi32>
    %eq3A_87 = vector.broadcast %broadcast_in_dim3A_86 : vector<1x2048xi32> to vector<8x2048xi32>
    %eq3A_88 = arith.cmpi eq, %iota3A_75, %eq3A_87 : vector<8x2048xi32>
    %convert_element_type3A_89 = arith.extui %eq3A_88 : vector<8x2048xi1> to vector<8x2048xi32>
    %convert_element_type3A_90 = arith.sitofp %convert_element_type3A_89 : vector<8x2048xi32> to vector<8x2048xf32>
    %gt3A_91 = arith.constant 0.000000e+00 : f32
    %gt3A_92 = vector.broadcast %gt3A_91 : f32 to vector<8x2048xf32>
    %gt3A_93 = arith.cmpf ogt, %convert_element_type3A_90, %gt3A_92 : vector<8x2048xf32>
    %jit3A_94 = arith.constant 0xFF800000 : f32
    %broadcast_in_dim3A_95 = vector.broadcast %jit3A_94 : f32 to vector<8x2048xf32>
    %select_n3A_96 = arith.select %gt3A_93, %broadcast_in_dim3A_95, %add3A_74 : vector<8x2048xi1>, vector<8x2048xf32>
    %reduce_max3A_97 = arith.constant dense<0xFF800000> : vector<2048xf32>
    %reduce_max3A_98 = vector.multi_reduction <maximumf>, %select_n3A_96, %reduce_max3A_97 [0] : vector<8x2048xf32> to vector<2048xf32>
    %broadcast_in_dim3A_99 = vector.shape_cast %reduce_max3A_98 : vector<2048xf32> to vector<1x2048xf32>
    %eq3A_100 = vector.broadcast %broadcast_in_dim3A_99 : vector<1x2048xf32> to vector<8x2048xf32>
    %eq3A_101 = arith.cmpf oeq, %select_n3A_96, %eq3A_100 : vector<8x2048xf32>
    %jit3A_102 = arith.constant 8 : i32
    %broadcast_in_dim3A_103 = vector.broadcast %jit3A_102 : i32 to vector<8x2048xi32>
    %select_n3A_104 = arith.select %eq3A_101, %iota3A_75, %broadcast_in_dim3A_103 : vector<8x2048xi1>, vector<8x2048xi32>
    %reduce_min3A_105 = arith.constant dense<2147483647> : vector<2048xi32>
    %reduce_min3A_106 = vector.multi_reduction <minsi>, %select_n3A_104, %reduce_min3A_105 [0] : vector<8x2048xi32> to vector<2048xi32>
    %broadcast_in_dim3A_107 = vector.shape_cast %reduce_min3A_106 : vector<2048xi32> to vector<1x2048xi32>
    %eq3A_108 = vector.broadcast %broadcast_in_dim3A_107 : vector<1x2048xi32> to vector<8x2048xi32>
    %eq3A_109 = arith.cmpi eq, %iota3A_75, %eq3A_108 : vector<8x2048xi32>
    %convert_element_type3A_110 = arith.extui %eq3A_109 : vector<8x2048xi1> to vector<8x2048xi32>
    %convert_element_type3A_111 = arith.sitofp %convert_element_type3A_110 : vector<8x2048xi32> to vector<8x2048xf32>
    %add3A_112 = arith.addf %convert_element_type3A_90, %convert_element_type3A_111 : vector<8x2048xf32>
    %reduce_sum3A_113 = arith.constant dense<0.000000e+00> : vector<8xf32>
    %reduce_sum3A_114 = vector.multi_reduction <add>, %add3A_112, %reduce_sum3A_113 [1] : vector<8x2048xf32> to vector<8xf32>
    %broadcast_in_dim3A_115 = vector.shape_cast %reduce_sum3A_114 : vector<8xf32> to vector<8x1xf32>
    %add3A_116 = arith.constant 1.270000e+02 : f32
    %add3A_117 = vector.broadcast %add3A_116 : f32 to vector<8x1xf32>
    %add3A_118 = arith.addf %broadcast_in_dim3A_115, %add3A_117 : vector<8x1xf32>
    %mul3A_119 = arith.constant 7.812500e-03 : f32
    %mul3A_120 = vector.broadcast %mul3A_119 : f32 to vector<8x1xf32>
    %mul3A_121 = arith.mulf %add3A_118, %mul3A_120 : vector<8x1xf32>
    %floor3A = math.floor %mul3A_121 : vector<8x1xf32>
    %mul3A_122 = arith.constant 1.280000e+02 : f32
    %mul3A_123 = vector.broadcast %mul3A_122 : f32 to vector<8x1xf32>
    %mul3A_124 = arith.mulf %floor3A, %mul3A_123 : vector<8x1xf32>
    %iota3A_125 = tpu.iota {dimensions = array<i32: 0>} : vector<8x8xi32>
    %iota3A_126 = tpu.iota {dimensions = array<i32: 1>} : vector<8x8xi32>
    %gt3A_127 = arith.cmpi sgt, %iota3A_125, %iota3A_126 : vector<8x8xi32>
    %convert_element_type3A_128 = arith.extui %gt3A_127 : vector<8x8xi1> to vector<8x8xi32>
    %convert_element_type3A_129 = arith.sitofp %convert_element_type3A_128 : vector<8x8xi32> to vector<8x8xf32>
    %dot_general3A_130 = arith.constant dense<0.000000e+00> : vector<8x1xf32>
    %dot_general3A_131 = tpu.matmul %convert_element_type3A_129, %mul3A_124, %dot_general3A_130 {dimension_numbers = #tpu.dot_dimension_numbers<[1], [0], [0], [1], [0, 0, 1, 1], [], []>, transpose_lhs_hint = false} : vector<8x8xf32>, vector<8x1xf32>, vector<8x1xf32> -> vector<8x1xf32>
    %broadcast_in_dim3A_132 = vector.shape_cast %convert_element_type3A_90 : vector<8x2048xf32> to vector<8x1x2048xf32>
    %broadcast_in_dim3A_133 = vector.shape_cast %convert_element_type3A_111 : vector<8x2048xf32> to vector<8x1x2048xf32>
    %concatenate3A = tpu.concatenate %broadcast_in_dim3A_132, %broadcast_in_dim3A_133 in 1 : vector<8x1x2048xf32>, vector<8x1x2048xf32> -> vector<8x2x2048xf32>
    %reshape3A = vector.shape_cast %concatenate3A : vector<8x2x2048xf32> to vector<8x2x16x128xf32>
    %iota3A_134 = tpu.iota {dimensions = array<i32: 0>} : vector<128x128xi32>
    %iota3A_135 = tpu.iota {dimensions = array<i32: 1>} : vector<128x128xi32>
    %lt3A = arith.cmpi slt, %iota3A_134, %iota3A_135 : vector<128x128xi32>
    %convert_element_type3A_136 = arith.extui %lt3A : vector<128x128xi1> to vector<128x128xi32>
    %convert_element_type3A_137 = arith.sitofp %convert_element_type3A_136 : vector<128x128xi32> to vector<128x128xf32>
    %dot_general3A_138 = arith.constant dense<0.000000e+00> : vector<8x2x16x128xf32>
    %dot_general3A_139 = tpu.matmul %reshape3A, %convert_element_type3A_137, %dot_general3A_138 {dimension_numbers = #tpu.dot_dimension_numbers<[3], [0], [0, 1, 2], [1], [0, 0, 0, 1, 0, 2, 1, 1], [], []>, transpose_lhs_hint = false} : vector<8x2x16x128xf32>, vector<128x128xf32>, vector<8x2x16x128xf32> -> vector<8x2x16x128xf32>
    %reduce_sum3A_140 = arith.constant dense<0.000000e+00> : vector<8x2x16xf32>
    %reduce_sum3A_141 = vector.multi_reduction <add>, %reshape3A, %reduce_sum3A_140 [3] : vector<8x2x16x128xf32> to vector<8x2x16xf32>
    %iota3A_142 = tpu.iota {dimensions = array<i32: 0>} : vector<16x16xi32>
    %iota3A_143 = tpu.iota {dimensions = array<i32: 1>} : vector<16x16xi32>
    %lt3A_144 = arith.cmpi slt, %iota3A_142, %iota3A_143 : vector<16x16xi32>
    %convert_element_type3A_145 = arith.extui %lt3A_144 : vector<16x16xi1> to vector<16x16xi32>
    %convert_element_type3A_146 = arith.sitofp %convert_element_type3A_145 : vector<16x16xi32> to vector<16x16xf32>
    %dot_general3A_147 = arith.constant dense<0.000000e+00> : vector<8x2x16xf32>
    %dot_general3A_148 = tpu.matmul %reduce_sum3A_141, %convert_element_type3A_146, %dot_general3A_147 {dimension_numbers = #tpu.dot_dimension_numbers<[2], [0], [0, 1], [1], [0, 0, 0, 1, 1, 1], [], []>, transpose_lhs_hint = false} : vector<8x2x16xf32>, vector<16x16xf32>, vector<8x2x16xf32> -> vector<8x2x16xf32>
    %slice3A = vector.extract_strided_slice %reduce_sum3A_141 {offsets = [0, 0, 0], sizes = [8, 1, 16], strides = [1, 1, 1]} : vector<8x2x16xf32> to vector<8x1x16xf32>
    %reduce_sum3A_149 = arith.constant dense<0.000000e+00> : vector<8x1xf32>
    %reduce_sum3A_150 = vector.multi_reduction <add>, %slice3A, %reduce_sum3A_149 [2] : vector<8x1x16xf32> to vector<8x1xf32>
    %broadcast_in_dim3A_151 = vector.shape_cast %reduce_sum3A_150 : vector<8x1xf32> to vector<8x1x1xf32>
    %iota3A_152 = tpu.iota {dimensions = array<i32: 1>} : vector<8x2x16xi32>
    %convert_element_type3A_153 = arith.sitofp %iota3A_152 : vector<8x2x16xi32> to vector<8x2x16xf32>
    %mul3A_154 = vector.broadcast %broadcast_in_dim3A_151 : vector<8x1x1xf32> to vector<8x2x16xf32>
    %mul3A_155 = arith.mulf %convert_element_type3A_153, %mul3A_154 : vector<8x2x16xf32>
    %add3A_156 = arith.addf %dot_general3A_148, %mul3A_155 : vector<8x2x16xf32>
    %broadcast_in_dim3A_157 = vector.shape_cast %add3A_156 : vector<8x2x16xf32> to vector<8x2x16x1xf32>
    %add3A_158 = vector.broadcast %broadcast_in_dim3A_157 : vector<8x2x16x1xf32> to vector<8x2x16x128xf32>
    %add3A_159 = arith.addf %dot_general3A_139, %add3A_158 : vector<8x2x16x128xf32>
    %reshape3A_160 = vector.shape_cast %dot_general3A_131 : vector<8x1xf32> to vector<8x1x1x1xf32>
    %add3A_161 = vector.broadcast %reshape3A_160 : vector<8x1x1x1xf32> to vector<8x2x16x128xf32>
    %add3A_162 = arith.addf %add3A_159, %add3A_161 : vector<8x2x16x128xf32>
    %mul3A_163 = arith.mulf %reshape3A, %add3A_162 : vector<8x2x16x128xf32>
    %reduce_sum3A_164 = arith.constant dense<0.000000e+00> : vector<2x16x128xf32>
    %reduce_sum3A_165 = vector.multi_reduction <add>, %mul3A_163, %reduce_sum3A_164 [0] : vector<8x2x16x128xf32> to vector<2x16x128xf32>
    %reshape3A_166 = vector.shape_cast %reduce_sum3A_165 : vector<2x16x128xf32> to vector<2x2048xf32>
    %convert_element_type3A_167 = arith.fptosi %reshape3A_166 : vector<2x2048xf32> to vector<2x2048xi32>
    %swap3A_168 = arith.constant 0 : index
    %swap3A_169 = arith.constant 0 : index
    %swap3A_170 = vector.load %arg7[%swap3A_168, %swap3A_169] : memref<2x2048xi32, #tpu.memory_space<vmem>>, vector<2x2048xi32>
    tpu.vector_store %arg7[%swap3A_168, %swap3A_169], %convert_element_type3A_167 {strides = array<i32>} : memref<2x2048xi32, #tpu.memory_space<vmem>>, vector<2x2048xi32>,
    %iota3A_171 = tpu.iota {dimensions = array<i32: 1>} : vector<8x40xi32>
    %convert_element_type3A_172 = arith.sitofp %iota3A_171 : vector<8x40xi32> to vector<8x40xf32>
    %mul3A_173 = arith.constant 1.280000e+02 : f32
    %mul3A_174 = vector.broadcast %mul3A_173 : f32 to vector<8x40xf32>
    %mul3A_175 = arith.mulf %convert_element_type3A_172, %mul3A_174 : vector<8x40xf32>
    %ge3A = vector.broadcast %dot_general3A_131 : vector<8x1xf32> to vector<8x40xf32>
    %ge3A_176 = arith.cmpf oge, %mul3A_175, %ge3A : vector<8x40xf32>
    %add3A_177 = arith.addf %dot_general3A_131, %mul3A_124 : vector<8x1xf32>
    %lt3A_178 = vector.broadcast %add3A_177 : vector<8x1xf32> to vector<8x40xf32>
    %lt3A_179 = arith.cmpf olt, %mul3A_175, %lt3A_178 : vector<8x40xf32>
    %and3A = arith.andi %ge3A_176, %lt3A_179 : vector<8x40xi1>
    %convert_element_type3A_180 = arith.extui %and3A : vector<8x40xi1> to vector<8x40xi32>
    %convert_element_type3A_181 = arith.sitofp %convert_element_type3A_180 : vector<8x40xi32> to vector<8x40xf32>
    %iota3A_182 = tpu.iota {dimensions = array<i32: 0>} : vector<8x40xi32>
    %convert_element_type3A_183 = arith.sitofp %iota3A_182 : vector<8x40xi32> to vector<8x40xf32>
    %mul3A_184 = arith.mulf %convert_element_type3A_183, %convert_element_type3A_181 : vector<8x40xf32>
    %reduce_sum3A_185 = arith.constant dense<0.000000e+00> : vector<40xf32>
    %reduce_sum3A_186 = vector.multi_reduction <add>, %mul3A_184, %reduce_sum3A_185 [0] : vector<8x40xf32> to vector<40xf32>
    %broadcast_in_dim3A_187 = vector.shape_cast %reduce_sum3A_186 : vector<40xf32> to vector<1x40xf32>
    %reduce_sum3A_188 = arith.constant dense<0.000000e+00> : vector<40xf32>
    %reduce_sum3A_189 = vector.multi_reduction <add>, %convert_element_type3A_181, %reduce_sum3A_188 [0] : vector<8x40xf32> to vector<40xf32>
    %broadcast_in_dim3A_190 = vector.shape_cast %reduce_sum3A_189 : vector<40xf32> to vector<1x40xf32>
    %reduce_max3A_191 = arith.constant dense<0xFF800000> : vector<1xf32>
    %reduce_max3A_192 = vector.multi_reduction <maximumf>, %broadcast_in_dim3A_187, %reduce_max3A_191 [1] : vector<1x40xf32> to vector<1xf32>
    %broadcast_in_dim3A_193 = vector.shape_cast %reduce_max3A_192 : vector<1xf32> to vector<1x1xf32>
    %gt3A_194 = arith.constant 0.000000e+00 : f32
    %gt3A_195 = vector.broadcast %gt3A_194 : f32 to vector<1x40xf32>
    %gt3A_196 = arith.cmpf ogt, %broadcast_in_dim3A_190, %gt3A_195 : vector<1x40xf32>
    %broadcast_in_dim3A_197 = vector.shape_cast %broadcast_in_dim3A_193 : vector<1x1xf32> to vector<1x1xf32>
    %broadcast_in_dim3A_198 = vector.broadcast %broadcast_in_dim3A_197 : vector<1x1xf32> to vector<1x40xf32>
    %select_n3A_199 = arith.select %gt3A_196, %broadcast_in_dim3A_187, %broadcast_in_dim3A_198 : vector<1x40xi1>, vector<1x40xf32>
    %convert_element_type3A_200 = arith.fptosi %select_n3A_199 : vector<1x40xf32> to vector<1x40xi32>
    %swap3A_201 = arith.constant 0 : index
    %swap3A_202 = arith.constant 0 : index
    %swap3A_203 = vector.load %arg8[%swap3A_201, %swap3A_202] : memref<1x40xi32, #tpu.memory_space<vmem>>, vector<1x40xi32>
    tpu.vector_store %arg8[%swap3A_201, %swap3A_202], %convert_element_type3A_200 {strides = array<i32>} : memref<1x40xi32, #tpu.memory_space<vmem>>, vector<1x40xi32>,
    %convert_element_type3A_204 = arith.fptosi %broadcast_in_dim3A_190 : vector<1x40xf32> to vector<1x40xi32>
    %swap3A_205 = arith.constant 0 : index
    %swap3A_206 = arith.constant 0 : index
    %swap3A_207 = vector.load %arg9[%swap3A_205, %swap3A_206] : memref<1x40xi32, #tpu.memory_space<vmem>>, vector<1x40xi32>
    tpu.vector_store %arg9[%swap3A_205, %swap3A_206], %convert_element_type3A_204 {strides = array<i32>} : memref<1x40xi32, #tpu.memory_space<vmem>>, vector<1x40xi32>,
    return
  }
}

module attributes {stable_mosaic.version = 14 : i64} {
  func.func @_final_body(%arg0: i32, %arg1: memref<512x1024xf32, #tpu.memory_space<vmem>>, %arg2: memref<1024x1024xf32, #tpu.memory_space<vmem>>, %arg3: memref<1024x1024xf32, #tpu.memory_space<vmem>>, %arg4: memref<1024x1024xf32, #tpu.memory_space<vmem>>, %arg5: memref<512x1024xf32, #tpu.memory_space<vmem>>, %arg6: memref<512x1024xf32, #tpu.memory_space<vmem>>, %arg7: memref<512x1xf32, #tpu.memory_space<vmem>>, %arg8: memref<512x1xf32, #tpu.memory_space<vmem>>, %arg9: memref<512x1024xf32, #tpu.memory_space<vmem>>) attributes {dimension_semantics = [#tpu.dimension_semantics<arbitrary>], iteration_bounds = array<i64: 4>, scalar_prefetch = 0 : i64, scratch_operands = 0 : i64, tpu.core_type = #tpu.core_type<tc>, window_params = [{transform_indices = @transform_0, window_bounds = array<i64: 512, 1024>}, {pipeline_mode = #tpu.pipeline_mode<synchronous>, transform_indices = @transform_1, window_bounds = array<i64: 1024, 1024>}, {pipeline_mode = #tpu.pipeline_mode<synchronous>, transform_indices = @transform_2, window_bounds = array<i64: 1024, 1024>}, {pipeline_mode = #tpu.pipeline_mode<synchronous>, transform_indices = @transform_3, window_bounds = array<i64: 1024, 1024>}, {transform_indices = @transform_4, window_bounds = array<i64: 512, 1024>}, {transform_indices = @transform_5, window_bounds = array<i64: 512, 1024>}, {transform_indices = @transform_6, window_bounds = array<i64: 512, 1>}, {transform_indices = @transform_7, window_bounds = array<i64: 512, 1>}, {transform_indices = @transform_8, window_bounds = array<i64: 512, 1024>}]} {
    %get3A = arith.constant 0 : index
    %get3A_0 = arith.constant 0 : index
    %get3A_1 = vector.load %arg1[%get3A, %get3A_0] : memref<512x1024xf32, #tpu.memory_space<vmem>>, vector<512x1024xf32>
    %get3A_2 = arith.constant 0 : index
    %get3A_3 = arith.constant 0 : index
    %get3A_4 = vector.load %arg2[%get3A_2, %get3A_3] : memref<1024x1024xf32, #tpu.memory_space<vmem>>, vector<1024x1024xf32>
    %dot_general3A = arith.constant dense<0.000000e+00> : vector<512x1024xf32>
    %dot_general3A_5 = tpu.matmul %get3A_1, %get3A_4, %dot_general3A {dimension_numbers = #tpu.dot_dimension_numbers<[1], [0], [0], [1], [0, 0, 1, 1], [], []>, transpose_lhs_hint = false} : vector<512x1024xf32>, vector<1024x1024xf32>, vector<512x1024xf32> -> vector<512x1024xf32>
    %get3A_6 = arith.constant 0 : index
    %get3A_7 = arith.constant 0 : index
    %get3A_8 = vector.load %arg3[%get3A_6, %get3A_7] : memref<1024x1024xf32, #tpu.memory_space<vmem>>, vector<1024x1024xf32>
    %dot_general3A_9 = arith.constant dense<0.000000e+00> : vector<512x1024xf32>
    %dot_general3A_10 = tpu.matmul %get3A_1, %get3A_8, %dot_general3A_9 {dimension_numbers = #tpu.dot_dimension_numbers<[1], [0], [0], [1], [0, 0, 1, 1], [], []>, transpose_lhs_hint = false} : vector<512x1024xf32>, vector<1024x1024xf32>, vector<512x1024xf32> -> vector<512x1024xf32>
    %logistic3A = arith.negf %dot_general3A_5 : vector<512x1024xf32>
    %logistic3A_11 = math.exp %logistic3A : vector<512x1024xf32>
    %logistic3A_12 = arith.constant 1.000000e+00 : f32
    %logistic3A_13 = vector.broadcast %logistic3A_12 : f32 to vector<512x1024xf32>
    %logistic3A_14 = arith.addf %logistic3A_13, %logistic3A_11 : vector<512x1024xf32>
    %logistic3A_15 = arith.divf %logistic3A_13, %logistic3A_14 : vector<512x1024xf32>
    %mul3A = arith.mulf %dot_general3A_5, %logistic3A_15 : vector<512x1024xf32>
    %mul3A_16 = arith.mulf %mul3A, %dot_general3A_10 : vector<512x1024xf32>
    %get3A_17 = arith.constant 0 : index
    %get3A_18 = arith.constant 0 : index
    %get3A_19 = vector.load %arg4[%get3A_17, %get3A_18] : memref<1024x1024xf32, #tpu.memory_space<vmem>>, vector<1024x1024xf32>
    %dot_general3A_20 = arith.constant dense<0.000000e+00> : vector<512x1024xf32>
    %dot_general3A_21 = tpu.matmul %mul3A_16, %get3A_19, %dot_general3A_20 {dimension_numbers = #tpu.dot_dimension_numbers<[1], [0], [0], [1], [0, 0, 1, 1], [], []>, transpose_lhs_hint = false} : vector<512x1024xf32>, vector<1024x1024xf32>, vector<512x1024xf32> -> vector<512x1024xf32>
    %get3A_22 = arith.constant 0 : index
    %get3A_23 = arith.constant 0 : index
    %get3A_24 = vector.load %arg7[%get3A_22, %get3A_23] : memref<512x1xf32, #tpu.memory_space<vmem>>, vector<512x1xf32>
    %get3A_25 = arith.constant 0 : index
    %get3A_26 = arith.constant 0 : index
    %get3A_27 = vector.load %arg5[%get3A_25, %get3A_26] : memref<512x1024xf32, #tpu.memory_space<vmem>>, vector<512x1024xf32>
    %mul3A_28 = vector.broadcast %get3A_24 : vector<512x1xf32> to vector<512x1024xf32>
    %mul3A_29 = arith.mulf %mul3A_28, %get3A_27 : vector<512x1024xf32>
    %add3A = arith.addf %dot_general3A_21, %mul3A_29 : vector<512x1024xf32>
    %get3A_30 = arith.constant 0 : index
    %get3A_31 = arith.constant 0 : index
    %get3A_32 = vector.load %arg8[%get3A_30, %get3A_31] : memref<512x1xf32, #tpu.memory_space<vmem>>, vector<512x1xf32>
    %get3A_33 = arith.constant 0 : index
    %get3A_34 = arith.constant 0 : index
    %get3A_35 = vector.load %arg6[%get3A_33, %get3A_34] : memref<512x1024xf32, #tpu.memory_space<vmem>>, vector<512x1024xf32>
    %mul3A_36 = vector.broadcast %get3A_32 : vector<512x1xf32> to vector<512x1024xf32>
    %mul3A_37 = arith.mulf %mul3A_36, %get3A_35 : vector<512x1024xf32>
    %add3A_38 = arith.addf %add3A, %mul3A_37 : vector<512x1024xf32>
    %swap3A = arith.constant 0 : index
    %swap3A_39 = arith.constant 0 : index
    %swap3A_40 = vector.load %arg9[%swap3A, %swap3A_39] : memref<512x1024xf32, #tpu.memory_space<vmem>>, vector<512x1024xf32>
    tpu.vector_store %arg9[%swap3A, %swap3A_39], %add3A_38 {strides = array<i32>} : memref<512x1024xf32, #tpu.memory_space<vmem>>, vector<512x1024xf32>,
    return
  }
  func.func @transform_0(%arg0: i32) -> (i32, i32) {
    %c0_i32 = arith.constant 0 : i32
    %c0_i32_0 = arith.constant 0 : i32
    return %arg0, %c0_i32 : i32, i32
  }
  func.func @transform_1(%arg0: i32) -> (i32, i32) {
    %c0_i32 = arith.constant 0 : i32
    %c0_i32_0 = arith.constant 0 : i32
    %c0_i32_1 = arith.constant 0 : i32
    return %c0_i32, %c0_i32_0 : i32, i32
  }
  func.func @transform_2(%arg0: i32) -> (i32, i32) {
    %c0_i32 = arith.constant 0 : i32
    %c0_i32_0 = arith.constant 0 : i32
    %c0_i32_1 = arith.constant 0 : i32
    return %c0_i32, %c0_i32_0 : i32, i32
  }
  func.func @transform_3(%arg0: i32) -> (i32, i32) {
    %c0_i32 = arith.constant 0 : i32
    %c0_i32_0 = arith.constant 0 : i32
    %c0_i32_1 = arith.constant 0 : i32
    return %c0_i32, %c0_i32_0 : i32, i32
  }
  func.func @transform_4(%arg0: i32) -> (i32, i32) {
    %c0_i32 = arith.constant 0 : i32
    %c0_i32_0 = arith.constant 0 : i32
    return %arg0, %c0_i32 : i32, i32
  }
  func.func @transform_5(%arg0: i32) -> (i32, i32) {
    %c0_i32 = arith.constant 0 : i32
    %c0_i32_0 = arith.constant 0 : i32
    return %arg0, %c0_i32 : i32, i32
  }
  func.func @transform_6(%arg0: i32) -> (i32, i32) {
    %c0_i32 = arith.constant 0 : i32
    %c0_i32_0 = arith.constant 0 : i32
    return %arg0, %c0_i32 : i32, i32
  }
  func.func @transform_7(%arg0: i32) -> (i32, i32) {
    %c0_i32 = arith.constant 0 : i32
    %c0_i32_0 = arith.constant 0 : i32
    return %arg0, %c0_i32 : i32, i32
  }
  func.func @transform_8(%arg0: i32) -> (i32, i32) {
    %c0_i32 = arith.constant 0 : i32
    %c0_i32_0 = arith.constant 0 : i32
    return %arg0, %c0_i32 : i32, i32
  }
}

</mosaic_0001>

<sc_bundles>
// kernel: kernel.10.cloned.1.call-start
scs
__scs_entry_jumppad:
0x0: {  	(pc) =	sbr.rel $0x88, $3  }
0x1: {  	(tag) =	ssettag $0x0;
	lr =	simm.s32 $0x1  }
0x2: {  	[smem:$0x3F98] =	sst lr;
	_ =	strace $0xD0000000  }
0x3: {  	_ = 	snop  }
0x4: {  	_ = 	snop  }
0x5: {  	_ = 	snop  }
0x6: {  	_ = 	snop  }
0x7: {  	_ = 	snop  }
__scs_overlays_trampoline_lowered:
0x8: {  	[smem:$0x3FA7] =	sst s0  }
0x9: {  	[smem:$0x3FA8] =	sst s1  }
0xa: {  	[smem:$0x3FA9] =	sst s2  }
0xb: {  	[smem:$0x3FAA] =	sst s3  }
0xc: {  	[smem:$0x3FAB] =	sst s4  }
0xd: {  	[smem:$0x3FAC] =	sst s5  }
0xe: {  	[smem:$0x3FAD] =	sst s6  }
0xf: {  	[smem:$0x3FAE] =	sst s7  }
0x10: {  	[smem:$0x3FAF] =	sst s8  }
0x11: {  	[smem:$0x3FB0] =	sst s9;
	s0 =	simm.s32 @!p0 $0x0  }
0x12: {  	s1 =	sld [smem:$0x3F96];
	s0 =	simm.s32 @p0 $0x1  }
0x13: {  	[smem:$0x3FB1] =	sst s0;
	s0 =	simm.s32 @!p1 $0x0  }
0x14: {  	s2 =	sld [smem:$0x3F95];
	s0 =	simm.s32 @p1 $0x1  }
0x15: {  	[smem:$0x3FB2] =	sst s0;
	s0 =	simm.s32 @!p2 $0x0  }
0x16: {  	s3 =	sld [smem:$0x3FDB];
	s0 =	simm.s32 @p2 $0x1  }
0x17: {  	s4 =	simm.s32 $0x1BF5;
	[smem:$0x3FB4] =	sst s0  }
0x18: {  	s0 =	sld [smem:$0x3F97];
	_ =	swait.ge [sflag:s4], $0x0  }
0x19: {  	s7 =	sld [smem:$0x3F98]  }
0x1a: {  	s8 =	sadd.s32 $0xFFFFE003, lr  }
0x1b: {  	s9 =	sadd.s32 $0xFFFFFEF7, lr;
	s5 =	simm.s32 $0xFFFFFFFF;
	p2 =	slt.u32 s8, $0xFFFFF086  }
0x1c: {  	p1 =	slt.u32 s9, $0xF7A;
	s5 =	simm.s32 @!p2 $0x0  }
0x1d: {  	s5 =	simm.s32 @p1 $0x1;
	p0 =	seq.s32 s7, s2  }
0x1e: {  	s7 =	smul.u32 @!p0 $0xF7A, s2;
	p2 =	seq.s32 @!p0 s5, $0x0  }
0x1f: {  	s9 =	smul.u32 $0xF7A, s1;
	s8 =	simm.s32 @!p0 $0x1BF5;
	p2 =	por !p2, p0  }
0x20: {  	[sflag:s8] =	ssyncset.s32 @!p0 $0xFFFFF086;
	s6 =	sadd.s32 @!p0 s3, s7;
	s7 =	simm.s32 @!p0 $0x108  }
0x21: {  	s3 =	sadd.s32 s3, s9;
	s6 =	sadd.s32 @!p0 $0x88, s6;
	s7 =	simm.s32 @p2 $0x1082  }
0x22: {  	[simem:s7], [sflag:s8] =	dma.local @!p0 [hbm:s6], $0xF7A  }
0x23: {  	s9 =	sor.u32 $0xD0000000, s2;
	s6 =	simm.s32 $0x108;
	_ =	swait.ge @!p0 [sflag:s8], $0x0  }
0x24: {  	s3 =	sadd.s32 $0x88, s3;
	s6 =	simm.s32 @!p1 $0x1082;
	[sflag:s4] =	ssyncset.s32 $0xFFFFF086  }
0x25: {  	[simem:s6], [sflag:s4] =	dma.local [hbm:s3], $0xF7A  }
0x26: {  	[smem:$0x3F98] =	sst s1;
	(tag) =	ssettag s2;
	_ =	strace s9  }
0x27: {  	s1 =	sld [smem:$0x3FA8]  }
0x28: {  	s2 =	sld [smem:$0x3FA9]  }
0x29: {  	s4 =	sld [smem:$0x3FAB]  }
0x2a: {  	p0 =	seq.s32 s5, $0x0;
	s5 =	sld [smem:$0x3FAC]  }
0x2b: {  	s6 =	sld [smem:$0x3FAD]  }
0x2c: {  	s7 =	sld [smem:$0x3FAE]  }
0x2d: {  	s3 =	simm.s32 $0x108;
	s8 =	sld [smem:$0x3FAF]  }
0x2e: {  	s3 =	simm.s32 @!p0 $0x1082;
	s9 =	sld [smem:$0x3FB0]  }
0x2f: {  	lr =	sadd.s32 s0, s3;
	s0 =	sld [smem:$0x3FA7]  }
0x30: {  	s3 =	sld [smem:$0x3FAA]  }
0x31: {  	[smem:$0x3FB3] =	sst s10  }
0x32: {  	s10 =	sld [smem:$0x3FB1];
	_ =	sdelay $0x3  }
0x33: {  	p0 =	seq.s32 s10, $0x1;
	s10 =	sld [smem:$0x3FB3];
	_ =	sdelay $0x3  }
0x34: {  	[smem:$0x3FB3] =	sst s10  }
0x35: {  	s10 =	sld [smem:$0x3FB2];
	_ =	sdelay $0x3  }
0x36: {  	p1 =	seq.s32 s10, $0x1;
	s10 =	sld [smem:$0x3FB3];
	_ =	sdelay $0x3  }
0x37: {  	[smem:$0x3FB3] =	sst s10  }
0x38: {  	s10 =	sld [smem:$0x3FB4]  }
0x39: {  	_ = 	snop;
	(pc) =	sbr.ind lr, $3  }
0x3a: {  	_ = 	snop  }
0x3b: {  	_ = 	snop  }
0x3c: {  	p2 =	seq.s32 s10, $0x1;
	s10 =	sld [smem:$0x3FB3]  }
0x3d: {  	_ =	shalt  }
0x3e: {  	_ =	shalt  }
0x3f: {  	_ =	shalt  }
0x40: {  	_ =	shalt  }
0x41: {  	_ =	shalt  }
0x42: {  	_ =	shalt  }
0x43: {  	_ =	shalt  }
0x44: {  	_ =	shalt  }
0x45: {  	_ =	shalt  }
0x46: {  	_ =	shalt  }
0x47: {  	_ =	shalt  }
0x48: {  	_ =	shalt  }
0x49: {  	_ =	shalt  }
0x4a: {  	_ =	shalt  }
0x4b: {  	_ =	shalt  }
0x4c: {  	_ =	shalt  }
0x4d: {  	_ =	shalt  }
0x4e: {  	_ =	shalt  }
0x4f: {  	_ =	shalt  }
0x50: {  	_ =	shalt  }
0x51: {  	_ =	shalt  }
0x52: {  	_ =	shalt  }
0x53: {  	_ =	shalt  }
0x54: {  	_ =	shalt  }
0x55: {  	_ =	shalt  }
0x56: {  	_ =	shalt  }
0x57: {  	_ =	shalt  }
0x58: {  	_ =	shalt  }
0x59: {  	_ =	shalt  }
0x5a: {  	_ =	shalt  }
0x5b: {  	_ =	shalt  }
0x5c: {  	_ =	shalt  }
0x5d: {  	_ =	shalt  }
0x5e: {  	_ =	shalt  }
0x5f: {  	_ =	shalt  }
0x60: {  	_ =	shalt  }
0x61: {  	_ =	shalt  }
0x62: {  	_ =	shalt  }
0x63: {  	_ =	shalt  }
0x64: {  	_ =	shalt  }
0x65: {  	_ =	shalt  }
0x66: {  	_ =	shalt  }
0x67: {  	_ =	shalt  }
0x68: {  	_ =	shalt  }
0x69: {  	_ =	shalt  }
0x6a: {  	_ =	shalt  }
0x6b: {  	_ =	shalt  }
0x6c: {  	_ =	shalt  }
0x6d: {  	_ =	shalt  }
0x6e: {  	_ =	shalt  }
0x6f: {  	_ =	shalt  }
0x70: {  	_ =	shalt  }
0x71: {  	_ =	shalt  }
0x72: {  	_ =	shalt  }
0x73: {  	_ =	shalt  }
0x74: {  	_ =	shalt  }
0x75: {  	_ =	shalt  }
0x76: {  	_ =	shalt  }
0x77: {  	_ =	shalt  }
0x78: {  	_ =	shalt  }
0x79: {  	_ =	shalt  }
0x7a: {  	_ =	shalt  }
0x7b: {  	_ =	shalt  }
0x7c: {  	_ =	shalt  }
0x7d: {  	_ =	shalt  }
0x7e: {  	_ =	shalt  }
0x7f: {  	_ =	shalt  }
0x80: {  	_ =	shalt  }
0x81: {  	_ =	shalt  }
0x82: {  	_ =	shalt  }
0x83: {  	_ =	shalt  }
0x84: {  	_ =	shalt  }
0x85: {  	_ =	shalt  }
0x86: {  	_ =	shalt  }
0x87: {  	_ =	shalt  }
.Lfunc_end0:
.L_simem_size_0:
called_computation.1_lowered:
.L_overlay_start_0:
0x88: {  	s2 =	sld [smem:$0x3FD9]  }
0x89: {  	s3 =	sld [smem:$0x3FFE];
	_ =	sdelay $0x1  }
0x8a: {  	s1 =	srdreg.scid  }
0x8b: {  	s0 =	sand.u32 $0x1, s1  }
0x8c: {  	s16 =	sshll.u32 s0, $0xA;
	s2 =	sadd.s32 s3, s2  }
0x8d: {  	s2 =	sadd.s32 s2, s16  }
0x8e: {  	[smem:$0x3FBF] =	sst s2  }
0x8f: {  	_ = 	snop  }
0x90: {  	(tm) =	ssettm $0x1  }
0x91: {  	s17 =	sld [smem:$0x3FFB];
	_ =	sdelay $0x3  }
0x92: {  	_ =	strace s17  }
0x93: {  	s2 =	sld [smem:$0x3FFC];
	_ =	sdelay $0x3  }
0x94: {  	_ =	strace s2  }
0x95: {  	s2 =	sld [smem:$0x3FFD];
	_ =	sdelay $0x3  }
0x96: {  	_ =	strace s2  }
0x97: {  	_ =	strace $0x8FFFFFFF  }
0x98: {  	s18 =	sld [smem:$0x3FDB];
	_ =	sdelay $0x1  }
0x99: {  	s19 =	simm.s32 $_scs_section_size  }
0x9a: {  	s4 =	simm.s32 $_size__tile_overlayer_lowered;
	s5 =	simm.s32 $_tile_overlayer_lowered  }
0x9b: {  	s22 =	simm.s32 $0x1BFF;
	s21 =	sshll.u32 s5, $0x1;
	s2 =	sadd.s32 s19, s18  }
0x9c: {  	s6 =	simm.s32 $0x0;
	s20 =	sshll.u32 s4, $0x1;
	s4 =	sadd.s32 s21, s2  }
0x9d: {  	[timem:s6], [sflag:s22] =	dma.local [hbm:s4], s20  }
0x9e: {  	_ =	swait.ge [sflag:s22], s20  }
0x9f: {  	s3 =	ssub.s32 $0x0, s20;
	[sflag:s22] =	ssyncset.done $0x0  }
0xa0: {  	[sflag:s22] =	ssyncadd.s32 s3;
	_ =	sdelay $0x1  }
0xa1: {  	s23 =	simm.s32 $0x1B8B  }
0xa2: {  	_ =	swait.ge [sflag:s23], $0x1  }
0xa3: {  	[sflag:s23] =	ssyncset.done $0x0  }
0xa4: {  	s25 =	simm.s32 $0x1B8E;
	s24 =	sld [smem:$0x3FFE];
	[sflag:s23] =	ssyncadd.s32 $0xFFFFFFFF  }
0xa5: {  	s26 =	simm.s32 $execute0_lowered;
	[smem:$0x3FD2] =	sst s25  }
0xa6: {  	s4 =	sshll.u32 s26, $0x1;
	_ =	strace $0x80000049;
	[dreg:$0x1] =	wrdreg $0xFFFFFFFF  }
0xa7: {  	s28 =	simm.s32 $_size_execute0_lowered;
	s2 =	sadd.s32 s2, s4;
	[dreg:$0x0] =	wrdreg $0x0  }
0xa8: {  	s4 =	sshll.u32 s28, $0x1;
	[dreg:$0x2] =	wrdreg s2  }
0xa9: {  	[dreg:$0x3] =	wrdreg s4  }
0xaa: {  	[dreg:$0x4] =	wrdreg $0xC0  }
0xab: {  	_ =	task [dreg:s6], $0x5FFFF  }
0xac: {  	[dreg:$0x1] =	wrdreg $0xFFFFFFFF  }
0xad: {  	[dreg:$0x0] =	wrdreg $0x60  }
0xae: {  	[dreg:$0x2] =	wrdreg s24  }
0xaf: {  	[dreg:$0x3] =	wrdreg $0x9  }
0xb0: {  	_ =	task.clear_ibuf [dreg:s6], $0x4FFFF;
	_ =	strace $0x90000049  }
0xb1: {  	s29 =	simm.s32 $0x9;
	_ =	strace $0x8000004B  }
0xb2: {  	_ =	swait.ge [sflag:s29], $0x1  }
0xb3: {  	[sflag:s29] =	ssyncadd.s32 $0xFFFFFFFF  }
0xb4: {  	_ =	strace $0x9000004B  }
0xb5: {  	_ =	sfence  }
0xb6: {  	s30 =	sld [smem:$0x0];
	_ =	sdelay $0x2  }
0xb7: {  	s31 =	sshll.u32 s1, $0xD;
	s1 =	sshrl.u32 s1, $0x2  }
0xb8: {  	s3 =	sand.u32 $0x4000, s31;
	s1 =	sadd.s32 s1, s30  }
0xb9: {  	s0 =	sor.u32 s3, s0;
	s1 =	sshll.u32 s1, $0x11  }
0xba: {  	s0 =	sor.u32 s1, s0  }
0xbb: {  	s0 =	sadd.s32 $0x8F2B, s0  }
0xbc: {  	[sflag:s0] =	ssyncadd.remote.s32 $0x1  }
0xbd: {  	_ =	sfence.sel $0xFFFF  }
0xbe: {  	[dreg:$0x0] =	wrdreg $0xFFFFFFFF;
	(pc) =	sbr.abs _section_cstart, $3  }
0xbf: {  	[dreg:$0x1] =	wrdreg $0xFFFFFFFF  }
0xc0: {  	_ =	task.clear_ibuf [dreg:s6], $0x2FFFF;
	_ =	strace $0x9FFFFFFF  }
0xc1: {  	(tm) =	ssettm $0x7FFFFFFF  }
tec
execute0_lowered:
.L_overlay_start_1:
0x0: {  	(tag) =	ssettag $0x1  }
0x1: {  	s0 =	rddreg [dreg:$0x0]  }
0x2: {  	s2 =	simm.s32 $0x0;
	s1 =	srdreg.scid;
	s3 =	stileid.u32  }
0x3: {  	s18 =	simm.s32 $0x1;
	s20 =	simm.s32 $0x880;
	s21 =	simm.s32 $0x1080  }
0x4: {  	s22 =	simm.s32 $0x1880;
	s28 =	simm.s32 $0x4080;
	s29 =	simm.s32 $0x4880  }
0x5: {  	s30 =	simm.s32 $0x5080;
	s31 =	simm.s32 $0x5880;
	s10 =	simm.s32 $0x7080  }
0x6: {  	s11 =	simm.s32 $0x7880;
	s12 =	simm.s32 $0x8080;
	s13 =	simm.s32 $0x8880  }
0x7: {  	s14 =	simm.s32 $0x9080;
	s15 =	simm.s32 $0x9880;
	s16 =	simm.s32 $0xA080  }
0x8: {  	s17 =	simm.s32 $0xA880;
	s9 =	simm.s32 $0xB080;
	[smem:$0x7FF] =	sst s2  }
0x9: {  	s1 =	sand.u32 $0x1, s1;
	s3 =	sshll.u32 s3, $0x1;
	_ =	strace $0x8000004A  }
0xa: {  	s4 =	sor.u32 s1, s3;
	s3 =	sadd.s32 $0xA2600, s0;
	s1 =	ssub.s32 $0x2, s1  }
0xb: {  	s5 =	sshll.u32 s4, $0x4;
	s4 =	sshll.u32 s4, $0xD;
	s23 =	sshrl.u32 s1, $0x1  }
0xc: {  	s6 =	sadd.s32 s5, s0;
	s7 =	sadd.s32 s4, s0;
	s1 =	ssub.s32 s1, s23  }
0xd: {  	s4 =	sadd.s32 $0xA2700, s0;
	s5 =	sadd.s32 $0xA2800, s0;
	s24 =	sadd.s32 $0xA2200, s6  }
0xe: {  	s23 =	simm.s32 $0x2080;
	s8 =	sadd.s32 $0x2200, s7;
	[dreg:$0x2] =	wrdreg s24  }
0xf: {  	s25 =	sadd.s32 $0xA2400, s6;
	s6 =	sadd.s32 $0xA2900, s0;
	[dreg:$0x3] =	wrdreg s8  }
0x10: {  	v2 =	vlaneseq.u32;
	s26 =	sadd.s32 $0x42200, s7;
	s7 =	smax.u32 s1, $0x1;
	[dreg:$0x4] =	wrdreg s25  }
0x11: {  	vm0 =	vmmov $0xffff;
	v1 =	vshrl.u32 v2, $0x3;
	s0 =	simm.s32 $0x80;
	[dreg:$0x5] =	wrdreg s26;
	s8 =	simm.s32 $0x2  }
0x12: {  	v0 =	vand.u32 $0x7, v2;
	v2 =	vor.u32 $0x8, v2;
	v1 =	vmul.u32 $0x8, v1;
	s24 =	simm.s32 $0x2880;
	s25 =	simm.s32 $0x3080;
	s26 =	simm.s32 $0x3880  }
.LBB2_1:
0x13: {  	s19 =	rddreg [dreg:$0x2]  }
0x14: {  	[tilespmem:s2], [sflag:$0x2] =	stream.linear.gather [hbm4b:s19+s2], $0x80, $0x38;
	[tilespmem:$0x10080] =	vst v63  }
0x15: {  	_ =	swait.ge [sflag:s8], $0x80  }
0x16: {  	[sflag:s8] =	ssyncset.done $0x0  }
0x17: {  	[sflag:s8] =	ssyncadd.s32 $0xFFFFFF80  }
0x18: {  	v3 =	vld [tilespmem:$0x0];
	_ =	sdelay $0x4  }
0x19: {  	v4 =	vshll.u32 v3, $0x3  }
0x1a: {  	v3 =	vand.u32 $0x7, v3;
	v4 =	vand.u32 $0xFFFFFFC0, v4  }
0x1b: {  	v3 =	vor.u32 v3, v4  }
0x1c: {  	v4 =	vperm.xlane v3, v0;
	_ =	sdelay $0x1  }
0x1d: {  	v4 =	vadd.s32 v1, v4;
	_ =	sdelay $0x4  }
0x1e: {  	[tilespmem:s0], [sflag:$0x1] =	stream.indirect_vreg.gather [hbm4b:s3+s2], $0x80, v4, vm0, $0xb8;
	[tilespmem:$0x10080] =	vst v63  }
0x1f: {  	v3 =	vperm.xlane v3, v2  }
0x20: {  	[tilespmem:s20], [sflag:$0x1] =	stream.indirect_vreg.gather [hbm4b:s4+s2], $0x80, v4, vm0, $0xb8;
	[tilespmem:$0x10080] =	vst v63  }
0x21: {  	v3 =	vadd.s32 v1, v3  }
0x22: {  	[tilespmem:s21], [sflag:$0x1] =	stream.indirect_vreg.gather [hbm4b:s5+s2], $0x80, v4, vm0, $0xb8;
	[tilespmem:$0x10080] =	vst v63  }
0x23: {  	_ = 	snop  }
0x24: {  	[tilespmem:s22], [sflag:$0x1] =	stream.indirect_vreg.gather [hbm4b:s6+s2], $0x80, v4, vm0, $0xb8;
	[tilespmem:$0x10080] =	vst v63  }
0x25: {  	_ = 	snop  }
0x26: {  	[tilespmem:s23], [sflag:$0x1] =	stream.indirect_vreg.gather [hbm4b:s3+s2], $0x80, v3, vm0, $0xb8;
	[tilespmem:$0x10080] =	vst v63  }
0x27: {  	_ = 	snop  }
0x28: {  	[tilespmem:s24], [sflag:$0x1] =	stream.indirect_vreg.gather [hbm4b:s4+s2], $0x80, v3, vm0, $0xb8;
	[tilespmem:$0x10080] =	vst v63  }
0x29: {  	_ = 	snop  }
0x2a: {  	[tilespmem:s25], [sflag:$0x1] =	stream.indirect_vreg.gather [hbm4b:s5+s2], $0x80, v3, vm0, $0xb8;
	[tilespmem:$0x10080] =	vst v63  }
0x2b: {  	_ = 	snop  }
0x2c: {  	[tilespmem:s26], [sflag:$0x1] =	stream.indirect_vreg.gather [hbm4b:s6+s2], $0x80, v3, vm0, $0xb8;
	[tilespmem:$0x10080] =	vst v63  }
0x2d: {  	v3 =	vld [tilespmem:$0x10];
	_ =	sdelay $0x4  }
0x2e: {  	v57 =	vshll.u32 v3, $0x3  }
0x2f: {  	v3 =	vand.u32 $0x7, v3;
	v4 =	vand.u32 $0xFFFFFFC0, v57  }
0x30: {  	v3 =	vor.u32 v3, v4  }
0x31: {  	v4 =	vperm.xlane v3, v0;
	_ =	sdelay $0x1  }
0x32: {  	v4 =	vadd.s32 v1, v4;
	_ =	sdelay $0x4  }
0x33: {  	[tilespmem:s28], [sflag:$0x1] =	stream.indirect_vreg.gather [hbm4b:s3+s2], $0x80, v4, vm0, $0xb8;
	[tilespmem:$0x10080] =	vst v63  }
0x34: {  	v3 =	vperm.xlane v3, v2  }
0x35: {  	[tilespmem:s29], [sflag:$0x1] =	stream.indirect_vreg.gather [hbm4b:s4+s2], $0x80, v4, vm0, $0xb8;
	[tilespmem:$0x10080] =	vst v63  }
0x36: {  	v3 =	vadd.s32 v1, v3  }
0x37: {  	[tilespmem:s30], [sflag:$0x1] =	stream.indirect_vreg.gather [hbm4b:s5+s2], $0x80, v4, vm0, $0xb8;
	[tilespmem:$0x10080] =	vst v63  }
0x38: {  	_ = 	snop  }
0x39: {  	[tilespmem:s31], [sflag:$0x1] =	stream.indirect_vreg.gather [hbm4b:s6+s2], $0x80, v4, vm0, $0xb8;
	[tilespmem:$0x10080] =	vst v63  }
0x3a: {  	s1 =	simm.s32 $0x6080  }
0x3b: {  	[tilespmem:s1], [sflag:$0x1] =	stream.indirect_vreg.gather [hbm4b:s3+s2], $0x80, v3, vm0, $0xb8;
	[tilespmem:$0x10080] =	vst v63  }
0x3c: {  	s1 =	simm.s32 $0x6880  }
0x3d: {  	[tilespmem:s1], [sflag:$0x1] =	stream.indirect_vreg.gather [hbm4b:s4+s2], $0x80, v3, vm0, $0xb8;
	[tilespmem:$0x10080] =	vst v63  }
0x3e: {  	_ = 	snop  }
0x3f: {  	[tilespmem:s10], [sflag:$0x1] =	stream.indirect_vreg.gather [hbm4b:s5+s2], $0x80, v3, vm0, $0xb8;
	[tilespmem:$0x10080] =	vst v63  }
0x40: {  	_ = 	snop  }
0x41: {  	[tilespmem:s11], [sflag:$0x1] =	stream.indirect_vreg.gather [hbm4b:s6+s2], $0x80, v3, vm0, $0xb8;
	[tilespmem:$0x10080] =	vst v63  }
0x42: {  	v3 =	vld [tilespmem:$0x20];
	_ =	sdelay $0x4  }
0x43: {  	v58 =	vshll.u32 v3, $0x3  }
0x44: {  	v3 =	vand.u32 $0x7, v3;
	v4 =	vand.u32 $0xFFFFFFC0, v58  }
0x45: {  	v3 =	vor.u32 v3, v4  }
0x46: {  	v4 =	vperm.xlane v3, v0;
	_ =	sdelay $0x1  }
0x47: {  	v4 =	vadd.s32 v1, v4;
	_ =	sdelay $0x4  }
0x48: {  	[tilespmem:s12], [sflag:$0x1] =	stream.indirect_vreg.gather [hbm4b:s3+s2], $0x80, v4, vm0, $0xb8;
	[tilespmem:$0x10080] =	vst v63  }
0x49: {  	v3 =	vperm.xlane v3, v2  }
0x4a: {  	[tilespmem:s13], [sflag:$0x1] =	stream.indirect_vreg.gather [hbm4b:s4+s2], $0x80, v4, vm0, $0xb8;
	[tilespmem:$0x10080] =	vst v63  }
0x4b: {  	v3 =	vadd.s32 v1, v3  }
0x4c: {  	[tilespmem:s14], [sflag:$0x1] =	stream.indirect_vreg.gather [hbm4b:s5+s2], $0x80, v4, vm0, $0xb8;
	[tilespmem:$0x10080] =	vst v63  }
0x4d: {  	_ = 	snop  }
0x4e: {  	[tilespmem:s15], [sflag:$0x1] =	stream.indirect_vreg.gather [hbm4b:s6+s2], $0x80, v4, vm0, $0xb8;
	[tilespmem:$0x10080] =	vst v63  }
0x4f: {  	_ = 	snop  }
0x50: {  	[tilespmem:s16], [sflag:$0x1] =	stream.indirect_vreg.gather [hbm4b:s3+s2], $0x80, v3, vm0, $0xb8;
	[tilespmem:$0x10080] =	vst v63  }
0x51: {  	_ = 	snop  }
0x52: {  	[tilespmem:s17], [sflag:$0x1] =	stream.indirect_vreg.gather [hbm4b:s4+s2], $0x80, v3, vm0, $0xb8;
	[tilespmem:$0x10080] =	vst v63  }
0x53: {  	_ = 	snop  }
0x54: {  	[tilespmem:s9], [sflag:$0x1] =	stream.indirect_vreg.gather [hbm4b:s5+s2], $0x80, v3, vm0, $0xb8;
	[tilespmem:$0x10080] =	vst v63  }
0x55: {  	s19 =	simm.s32 $0xB880  }
0x56: {  	[tilespmem:s19], [sflag:$0x1] =	stream.indirect_vreg.gather [hbm4b:s6+s2], $0x80, v3, vm0, $0xb8;
	[tilespmem:$0x10080] =	vst v63  }
0x57: {  	v3 =	vld [tilespmem:$0x30];
	_ =	sdelay $0x4  }
0x58: {  	v59 =	vshll.u32 v3, $0x3  }
0x59: {  	v3 =	vand.u32 $0x7, v3;
	v4 =	vand.u32 $0xFFFFFFC0, v59  }
0x5a: {  	v3 =	vor.u32 v3, v4  }
0x5b: {  	v4 =	vperm.xlane v3, v0;
	_ =	sdelay $0x1  }
0x5c: {  	v4 =	vadd.s32 v1, v4;
	_ =	sdelay $0x3  }
0x5d: {  	s19 =	simm.s32 $0xC080  }
0x5e: {  	[tilespmem:s19], [sflag:$0x1] =	stream.indirect_vreg.gather [hbm4b:s3+s2], $0x80, v4, vm0, $0xb8;
	[tilespmem:$0x10080] =	vst v63  }
0x5f: {  	v3 =	vperm.xlane v3, v2;
	s19 =	simm.s32 $0xC880  }
0x60: {  	[tilespmem:s19], [sflag:$0x1] =	stream.indirect_vreg.gather [hbm4b:s4+s2], $0x80, v4, vm0, $0xb8;
	[tilespmem:$0x10080] =	vst v63  }
0x61: {  	v3 =	vadd.s32 v1, v3;
	s19 =	simm.s32 $0xD080  }
0x62: {  	[tilespmem:s19], [sflag:$0x1] =	stream.indirect_vreg.gather [hbm4b:s5+s2], $0x80, v4, vm0, $0xb8;
	[tilespmem:$0x10080] =	vst v63  }
0x63: {  	s19 =	simm.s32 $0xD880  }
0x64: {  	[tilespmem:s19], [sflag:$0x1] =	stream.indirect_vreg.gather [hbm4b:s6+s2], $0x80, v4, vm0, $0xb8;
	[tilespmem:$0x10080] =	vst v63  }
0x65: {  	s19 =	simm.s32 $0xE080  }
0x66: {  	[tilespmem:s19], [sflag:$0x1] =	stream.indirect_vreg.gather [hbm4b:s3+s2], $0x80, v3, vm0, $0xb8;
	[tilespmem:$0x10080] =	vst v63  }
0x67: {  	s19 =	simm.s32 $0xE880  }
0x68: {  	[tilespmem:s19], [sflag:$0x1] =	stream.indirect_vreg.gather [hbm4b:s4+s2], $0x80, v3, vm0, $0xb8;
	[tilespmem:$0x10080] =	vst v63  }
0x69: {  	s19 =	simm.s32 $0xF080  }
0x6a: {  	[tilespmem:s19], [sflag:$0x1] =	stream.indirect_vreg.gather [hbm4b:s5+s2], $0x80, v3, vm0, $0xb8;
	[tilespmem:$0x10080] =	vst v63  }
0x6b: {  	s19 =	simm.s32 $0xF880  }
0x6c: {  	[tilespmem:s19], [sflag:$0x1] =	stream.indirect_vreg.gather [hbm4b:s6+s2], $0x80, v3, vm0, $0xb8;
	[tilespmem:$0x10080] =	vst v63  }
0x6d: {  	_ =	swait.ge [sflag:s18], $0x10000  }
0x6e: {  	[sflag:s18] =	ssyncset.done $0x0  }
0x6f: {  	s19 =	rddreg [dreg:$0x3];
	[sflag:s18] =	ssyncadd.s32 $0xFFFF0000  }
0x70: {  	[hbm4b:s19+s2] =	stream.linear.scatter [tilespmem:s0], [sflag:$0x2], $0x10000, $0x38;
	[tilespmem:$0x10080] =	vst v63  }
0x71: {  	_ =	swait.ge [sflag:s8], $0x10000  }
0x72: {  	[sflag:s8] =	ssyncset.done $0x0  }
0x73: {  	s19 =	rddreg [dreg:$0x4];
	[sflag:s8] =	ssyncadd.s32 $0xFFFF0000  }
0x74: {  	[tilespmem:s2], [sflag:$0x2] =	stream.linear.gather [hbm4b:s19+s2], $0x80, $0x38;
	[tilespmem:$0x10080] =	vst v63  }
0x75: {  	_ =	swait.ge [sflag:s8], $0x80  }
0x76: {  	[sflag:s8] =	ssyncset.done $0x0  }
0x77: {  	[sflag:s8] =	ssyncadd.s32 $0xFFFFFF80  }
0x78: {  	v3 =	vld [tilespmem:$0x0];
	_ =	sdelay $0x4  }
0x79: {  	v60 =	vshll.u32 v3, $0x3  }
0x7a: {  	v3 =	vand.u32 $0x7, v3;
	v4 =	vand.u32 $0xFFFFFFC0, v60  }
0x7b: {  	v3 =	vor.u32 v3, v4  }
0x7c: {  	v4 =	vperm.xlane v3, v0;
	_ =	sdelay $0x1  }
0x7d: {  	v4 =	vadd.s32 v1, v4;
	_ =	sdelay $0x4  }
0x7e: {  	[tilespmem:s0], [sflag:$0x1] =	stream.indirect_vreg.gather [hbm4b:s3+s2], $0x80, v4, vm0, $0xb8;
	[tilespmem:$0x10080] =	vst v63  }
0x7f: {  	v3 =	vperm.xlane v3, v2  }
0x80: {  	[tilespmem:s20], [sflag:$0x1] =	stream.indirect_vreg.gather [hbm4b:s4+s2], $0x80, v4, vm0, $0xb8;
	[tilespmem:$0x10080] =	vst v63  }
0x81: {  	v3 =	vadd.s32 v1, v3  }
0x82: {  	[tilespmem:s21], [sflag:$0x1] =	stream.indirect_vreg.gather [hbm4b:s5+s2], $0x80, v4, vm0, $0xb8;
	[tilespmem:$0x10080] =	vst v63  }
0x83: {  	_ = 	snop  }
0x84: {  	[tilespmem:s22], [sflag:$0x1] =	stream.indirect_vreg.gather [hbm4b:s6+s2], $0x80, v4, vm0, $0xb8;
	[tilespmem:$0x10080] =	vst v63  }
0x85: {  	_ = 	snop  }
0x86: {  	[tilespmem:s23], [sflag:$0x1] =	stream.indirect_vreg.gather [hbm4b:s3+s2], $0x80, v3, vm0, $0xb8;
	[tilespmem:$0x10080] =	vst v63  }
0x87: {  	_ = 	snop  }
0x88: {  	[tilespmem:s24], [sflag:$0x1] =	stream.indirect_vreg.gather [hbm4b:s4+s2], $0x80, v3, vm0, $0xb8;
	[tilespmem:$0x10080] =	vst v63  }
0x89: {  	_ = 	snop  }
0x8a: {  	[tilespmem:s25], [sflag:$0x1] =	stream.indirect_vreg.gather [hbm4b:s5+s2], $0x80, v3, vm0, $0xb8;
	[tilespmem:$0x10080] =	vst v63  }
0x8b: {  	_ = 	snop  }
0x8c: {  	[tilespmem:s26], [sflag:$0x1] =	stream.indirect_vreg.gather [hbm4b:s6+s2], $0x80, v3, vm0, $0xb8;
	[tilespmem:$0x10080] =	vst v63  }
0x8d: {  	v3 =	vld [tilespmem:$0x10];
	_ =	sdelay $0x4  }
0x8e: {  	v61 =	vshll.u32 v3, $0x3  }
0x8f: {  	v3 =	vand.u32 $0x7, v3;
	v4 =	vand.u32 $0xFFFFFFC0, v61  }
0x90: {  	v3 =	vor.u32 v3, v4  }
0x91: {  	v4 =	vperm.xlane v3, v0;
	_ =	sdelay $0x1  }
0x92: {  	v4 =	vadd.s32 v1, v4;
	_ =	sdelay $0x4  }
0x93: {  	[tilespmem:s28], [sflag:$0x1] =	stream.indirect_vreg.gather [hbm4b:s3+s2], $0x80, v4, vm0, $0xb8;
	[tilespmem:$0x10080] =	vst v63  }
0x94: {  	v3 =	vperm.xlane v3, v2  }
0x95: {  	[tilespmem:s29], [sflag:$0x1] =	stream.indirect_vreg.gather [hbm4b:s4+s2], $0x80, v4, vm0, $0xb8;
	[tilespmem:$0x10080] =	vst v63  }
0x96: {  	v3 =	vadd.s32 v1, v3  }
0x97: {  	[tilespmem:s30], [sflag:$0x1] =	stream.indirect_vreg.gather [hbm4b:s5+s2], $0x80, v4, vm0, $0xb8;
	[tilespmem:$0x10080] =	vst v63  }
0x98: {  	_ = 	snop  }
0x99: {  	[tilespmem:s31], [sflag:$0x1] =	stream.indirect_vreg.gather [hbm4b:s6+s2], $0x80, v4, vm0, $0xb8;
	[tilespmem:$0x10080] =	vst v63  }
0x9a: {  	s19 =	simm.s32 $0x6080  }
0x9b: {  	[tilespmem:s19], [sflag:$0x1] =	stream.indirect_vreg.gather [hbm4b:s3+s2], $0x80, v3, vm0, $0xb8;
	[tilespmem:$0x10080] =	vst v63  }
0x9c: {  	_ = 	snop  }
0x9d: {  	[tilespmem:s1], [sflag:$0x1] =	stream.indirect_vreg.gather [hbm4b:s4+s2], $0x80, v3, vm0, $0xb8;
	[tilespmem:$0x10080] =	vst v63  }
0x9e: {  	_ = 	snop  }
0x9f: {  	[tilespmem:s10], [sflag:$0x1] =	stream.indirect_vreg.gather [hbm4b:s5+s2], $0x80, v3, vm0, $0xb8;
	[tilespmem:$0x10080] =	vst v63  }
0xa0: {  	_ = 	snop  }
0xa1: {  	[tilespmem:s11], [sflag:$0x1] =	stream.indirect_vreg.gather [hbm4b:s6+s2], $0x80, v3, vm0, $0xb8;
	[tilespmem:$0x10080] =	vst v63  }
0xa2: {  	v3 =	vld [tilespmem:$0x20];
	_ =	sdelay $0x4  }
0xa3: {  	v62 =	vshll.u32 v3, $0x3  }
0xa4: {  	v3 =	vand.u32 $0x7, v3;
	v4 =	vand.u32 $0xFFFFFFC0, v62  }
0xa5: {  	v3 =	vor.u32 v3, v4  }
0xa6: {  	v4 =	vperm.xlane v3, v0;
	_ =	sdelay $0x1  }
0xa7: {  	v4 =	vadd.s32 v1, v4;
	_ =	sdelay $0x4  }
0xa8: {  	[tilespmem:s12], [sflag:$0x1] =	stream.indirect_vreg.gather [hbm4b:s3+s2], $0x80, v4, vm0, $0xb8;
	[tilespmem:$0x10080] =	vst v63  }
0xa9: {  	v3 =	vperm.xlane v3, v2  }
0xaa: {  	[tilespmem:s13], [sflag:$0x1] =	stream.indirect_vreg.gather [hbm4b:s4+s2], $0x80, v4, vm0, $0xb8;
	[tilespmem:$0x10080] =	vst v63  }
0xab: {  	v3 =	vadd.s32 v1, v3  }
0xac: {  	[tilespmem:s14], [sflag:$0x1] =	stream.indirect_vreg.gather [hbm4b:s5+s2], $0x80, v4, vm0, $0xb8;
	[tilespmem:$0x10080] =	vst v63  }
0xad: {  	_ = 	snop  }
0xae: {  	[tilespmem:s15], [sflag:$0x1] =	stream.indirect_vreg.gather [hbm4b:s6+s2], $0x80, v4, vm0, $0xb8;
	[tilespmem:$0x10080] =	vst v63  }
0xaf: {  	_ = 	snop  }
0xb0: {  	[tilespmem:s16], [sflag:$0x1] =	stream.indirect_vreg.gather [hbm4b:s3+s2], $0x80, v3, vm0, $0xb8;
	[tilespmem:$0x10080] =	vst v63  }
0xb1: {  	_ = 	snop  }
0xb2: {  	[tilespmem:s17], [sflag:$0x1] =	stream.indirect_vreg.gather [hbm4b:s4+s2], $0x80, v3, vm0, $0xb8;
	[tilespmem:$0x10080] =	vst v63  }
0xb3: {  	_ = 	snop  }
0xb4: {  	[tilespmem:s9], [sflag:$0x1] =	stream.indirect_vreg.gather [hbm4b:s5+s2], $0x80, v3, vm0, $0xb8;
	[tilespmem:$0x10080] =	vst v63  }
0xb5: {  	s19 =	simm.s32 $0xB880  }
0xb6: {  	[tilespmem:s19], [sflag:$0x1] =	stream.indirect_vreg.gather [hbm4b:s6+s2], $0x80, v3, vm0, $0xb8;
	[tilespmem:$0x10080] =	vst v63  }
0xb7: {  	v3 =	vld [tilespmem:$0x30];
	_ =	sdelay $0x4  }
0xb8: {  	v63 =	vshll.u32 v3, $0x3  }
0xb9: {  	v3 =	vand.u32 $0x7, v3;
	v4 =	vand.u32 $0xFFFFFFC0, v63  }
0xba: {  	v3 =	vor.u32 v3, v4  }
0xbb: {  	v4 =	vperm.xlane v3, v0;
	_ =	sdelay $0x1  }
0xbc: {  	v4 =	vadd.s32 v1, v4;
	_ =	sdelay $0x3  }
0xbd: {  	s19 =	simm.s32 $0xC080  }
0xbe: {  	[tilespmem:s19], [sflag:$0x1] =	stream.indirect_vreg.gather [hbm4b:s3+s2], $0x80, v4, vm0, $0xb8;
	[tilespmem:$0x10080] =	vst v63  }
0xbf: {  	v3 =	vperm.xlane v3, v2;
	s19 =	simm.s32 $0xC880  }
0xc0: {  	[tilespmem:s19], [sflag:$0x1] =	stream.indirect_vreg.gather [hbm4b:s4+s2], $0x80, v4, vm0, $0xb8;
	[tilespmem:$0x10080] =	vst v63  }
0xc1: {  	v3 =	vadd.s32 v1, v3;
	s19 =	simm.s32 $0xD080  }
0xc2: {  	[tilespmem:s19], [sflag:$0x1] =	stream.indirect_vreg.gather [hbm4b:s5+s2], $0x80, v4, vm0, $0xb8;
	[tilespmem:$0x10080] =	vst v63  }
0xc3: {  	s19 =	simm.s32 $0xD880  }
0xc4: {  	[tilespmem:s19], [sflag:$0x1] =	stream.indirect_vreg.gather [hbm4b:s6+s2], $0x80, v4, vm0, $0xb8;
	[tilespmem:$0x10080] =	vst v63  }
0xc5: {  	s19 =	simm.s32 $0xE080  }
0xc6: {  	[tilespmem:s19], [sflag:$0x1] =	stream.indirect_vreg.gather [hbm4b:s3+s2], $0x80, v3, vm0, $0xb8;
	[tilespmem:$0x10080] =	vst v63  }
0xc7: {  	s19 =	simm.s32 $0xE880  }
0xc8: {  	[tilespmem:s19], [sflag:$0x1] =	stream.indirect_vreg.gather [hbm4b:s4+s2], $0x80, v3, vm0, $0xb8;
	[tilespmem:$0x10080] =	vst v63  }
0xc9: {  	s19 =	simm.s32 $0xF080  }
0xca: {  	[tilespmem:s19], [sflag:$0x1] =	stream.indirect_vreg.gather [hbm4b:s5+s2], $0x80, v3, vm0, $0xb8;
	[tilespmem:$0x10080] =	vst v63  }
0xcb: {  	s19 =	simm.s32 $0xF880  }
0xcc: {  	[tilespmem:s19], [sflag:$0x1] =	stream.indirect_vreg.gather [hbm4b:s6+s2], $0x80, v3, vm0, $0xb8;
	[tilespmem:$0x10080] =	vst v63  }
0xcd: {  	_ =	swait.ge [sflag:s18], $0x10000  }
0xce: {  	p0 =	sne.s32 s7, $0x1;
	[sflag:s18] =	ssyncset.done $0x0  }
.Ltmp0:
0xcf: {  	s1 =	rddreg [dreg:$0x5];
	[sflag:s18] =	ssyncadd.s32 $0xFFFF0000;
	(pc) =	sbr.rel @p0 .LBB2_1-.Ltmp0, $4  }
0xd0: {  	[hbm4b:s1+s2] =	stream.linear.scatter [tilespmem:s0], [sflag:$0x2], $0x10000, $0x38;
	[tilespmem:$0x10080] =	vst v63  }
0xd1: {  	_ =	swait.ge [sflag:s8], $0x10000  }
0xd2: {  	[sflag:s8] =	ssyncset.done $0x0  }
0xd3: {  	s7 =	sadd.s32 $0xFFFFFFFF, s7;
	[sflag:s8] =	ssyncadd.s32 $0xFFFF0000  }
0xd4: {  	_ =	sfence.sel $0x180000  }
0xd5: {  	[bflag:$0x0] =	sbarrier.arrive $0xFFFF  }
0xd6: {  	_ =	strace $0x9000004A  }
0xd7: {  	s0 =	stileid.u32;
	[bflag:$0x2] =	sbarrier.arrive $0xFFFF  }
0xd8: {  	p0 =	sne.s32 s0, $0x0;
	s0 =	rddreg [dreg:$0x1]  }
0xd9: {  	s0 =	sadd.s32 @!p0 $0x100000, s0  }
0xda: {  	[sflag:s0] =	ssyncadd.tile.s32 @!p0 $0x1;
	_ =	shalt  }
.Lfunc_end2:
_tile_overlayer_lowered:
.L_overlay_start_2:
0xdb: {  	(tag) =	ssettag $0x2  }
0xdc: {  	s0 =	rddreg [dreg:$0x0];
	s2 =	stileid.u32  }
0xdd: {  	s1 =	rddreg [dreg:$0x1];
	p0 =	sne.s32 s2, $0x0  }
0xde: {  	s3 =	rddreg [dreg:$0x2];
	[bflag:$0x3] =	sbarrier.arrive $0xFFFF;
	s2 =	simm.s32 @!p0 $0x1C02  }
0xdf: {  	[timem:s3], [sflag:s2] =	dma.local @!p0 [hbm:s0], s1  }
0xe0: {  	s0 =	simm.s32 @!p0 $0x2  }
0xe1: {  	_ =	swait.ge @!p0 [sflag:s0], s1  }
0xe2: {  	s1 =	ssub.s32 @!p0 $0x0, s1;
	[sflag:s0] =	ssyncset.done @!p0 $0x0  }
0xe3: {  	[sflag:s0] =	ssyncadd.s32 @!p0 s1  }
0xe4: {  	[bflag:$0x3] =	sbarrier.arrive $0xFFFF  }
0xe5: {  	_ =	shalt  }

// kernel: kernel.7.cloned.1.call-start
scs
__scs_entry_jumppad:
0x0: {  	(pc) =	sbr.rel $0x88, $3  }
0x1: {  	(tag) =	ssettag $0x0;
	lr =	simm.s32 $0x1  }
0x2: {  	[smem:$0x3F98] =	sst lr;
	_ =	strace $0xD0000000  }
0x3: {  	_ = 	snop  }
0x4: {  	_ = 	snop  }
0x5: {  	_ = 	snop  }
0x6: {  	_ = 	snop  }
0x7: {  	_ = 	snop  }
__scs_overlays_trampoline_lowered:
0x8: {  	[smem:$0x3FA7] =	sst s0  }
0x9: {  	[smem:$0x3FA8] =	sst s1  }
0xa: {  	[smem:$0x3FA9] =	sst s2  }
0xb: {  	[smem:$0x3FAA] =	sst s3  }
0xc: {  	[smem:$0x3FAB] =	sst s4  }
0xd: {  	[smem:$0x3FAC] =	sst s5  }
0xe: {  	[smem:$0x3FAD] =	sst s6  }
0xf: {  	[smem:$0x3FAE] =	sst s7  }
0x10: {  	[smem:$0x3FAF] =	sst s8  }
0x11: {  	[smem:$0x3FB0] =	sst s9;
	s0 =	simm.s32 @!p0 $0x0  }
0x12: {  	s1 =	sld [smem:$0x3F96];
	s0 =	simm.s32 @p0 $0x1  }
0x13: {  	[smem:$0x3FB1] =	sst s0;
	s0 =	simm.s32 @!p1 $0x0  }
0x14: {  	s2 =	sld [smem:$0x3F95];
	s0 =	simm.s32 @p1 $0x1  }
0x15: {  	[smem:$0x3FB2] =	sst s0;
	s0 =	simm.s32 @!p2 $0x0  }
0x16: {  	s3 =	sld [smem:$0x3FDB];
	s0 =	simm.s32 @p2 $0x1  }
0x17: {  	s4 =	simm.s32 $0x1BF5;
	[smem:$0x3FB4] =	sst s0  }
0x18: {  	s0 =	sld [smem:$0x3F97];
	_ =	swait.ge [sflag:s4], $0x0  }
0x19: {  	s7 =	sld [smem:$0x3F98]  }
0x1a: {  	s8 =	sadd.s32 $0xFFFFE003, lr  }
0x1b: {  	s9 =	sadd.s32 $0xFFFFFEF7, lr;
	s5 =	simm.s32 $0xFFFFFFFF;
	p2 =	slt.u32 s8, $0xFFFFF086  }
0x1c: {  	p1 =	slt.u32 s9, $0xF7A;
	s5 =	simm.s32 @!p2 $0x0  }
0x1d: {  	s5 =	simm.s32 @p1 $0x1;
	p0 =	seq.s32 s7, s2  }
0x1e: {  	s7 =	smul.u32 @!p0 $0xF7A, s2;
	p2 =	seq.s32 @!p0 s5, $0x0  }
0x1f: {  	s9 =	smul.u32 $0xF7A, s1;
	s8 =	simm.s32 @!p0 $0x1BF5;
	p2 =	por !p2, p0  }
0x20: {  	[sflag:s8] =	ssyncset.s32 @!p0 $0xFFFFF086;
	s6 =	sadd.s32 @!p0 s3, s7;
	s7 =	simm.s32 @!p0 $0x108  }
0x21: {  	s3 =	sadd.s32 s3, s9;
	s6 =	sadd.s32 @!p0 $0x88, s6;
	s7 =	simm.s32 @p2 $0x1082  }
0x22: {  	[simem:s7], [sflag:s8] =	dma.local @!p0 [hbm:s6], $0xF7A  }
0x23: {  	s9 =	sor.u32 $0xD0000000, s2;
	s6 =	simm.s32 $0x108;
	_ =	swait.ge @!p0 [sflag:s8], $0x0  }
0x24: {  	s3 =	sadd.s32 $0x88, s3;
	s6 =	simm.s32 @!p1 $0x1082;
	[sflag:s4] =	ssyncset.s32 $0xFFFFF086  }
0x25: {  	[simem:s6], [sflag:s4] =	dma.local [hbm:s3], $0xF7A  }
0x26: {  	[smem:$0x3F98] =	sst s1;
	(tag) =	ssettag s2;
	_ =	strace s9  }
0x27: {  	s1 =	sld [smem:$0x3FA8]  }
0x28: {  	s2 =	sld [smem:$0x3FA9]  }
0x29: {  	s4 =	sld [smem:$0x3FAB]  }
0x2a: {  	p0 =	seq.s32 s5, $0x0;
	s5 =	sld [smem:$0x3FAC]  }
0x2b: {  	s6 =	sld [smem:$0x3FAD]  }
0x2c: {  	s7 =	sld [smem:$0x3FAE]  }
0x2d: {  	s3 =	simm.s32 $0x108;
	s8 =	sld [smem:$0x3FAF]  }
0x2e: {  	s3 =	simm.s32 @!p0 $0x1082;
	s9 =	sld [smem:$0x3FB0]  }
0x2f: {  	lr =	sadd.s32 s0, s3;
	s0 =	sld [smem:$0x3FA7]  }
0x30: {  	s3 =	sld [smem:$0x3FAA]  }
0x31: {  	[smem:$0x3FB3] =	sst s10  }
0x32: {  	s10 =	sld [smem:$0x3FB1];
	_ =	sdelay $0x3  }
0x33: {  	p0 =	seq.s32 s10, $0x1;
	s10 =	sld [smem:$0x3FB3];
	_ =	sdelay $0x3  }
0x34: {  	[smem:$0x3FB3] =	sst s10  }
0x35: {  	s10 =	sld [smem:$0x3FB2];
	_ =	sdelay $0x3  }
0x36: {  	p1 =	seq.s32 s10, $0x1;
	s10 =	sld [smem:$0x3FB3];
	_ =	sdelay $0x3  }
0x37: {  	[smem:$0x3FB3] =	sst s10  }
0x38: {  	s10 =	sld [smem:$0x3FB4]  }
0x39: {  	_ = 	snop;
	(pc) =	sbr.ind lr, $3  }
0x3a: {  	_ = 	snop  }
0x3b: {  	_ = 	snop  }
0x3c: {  	p2 =	seq.s32 s10, $0x1;
	s10 =	sld [smem:$0x3FB3]  }
0x3d: {  	_ =	shalt  }
0x3e: {  	_ =	shalt  }
0x3f: {  	_ =	shalt  }
0x40: {  	_ =	shalt  }
0x41: {  	_ =	shalt  }
0x42: {  	_ =	shalt  }
0x43: {  	_ =	shalt  }
0x44: {  	_ =	shalt  }
0x45: {  	_ =	shalt  }
0x46: {  	_ =	shalt  }
0x47: {  	_ =	shalt  }
0x48: {  	_ =	shalt  }
0x49: {  	_ =	shalt  }
0x4a: {  	_ =	shalt  }
0x4b: {  	_ =	shalt  }
0x4c: {  	_ =	shalt  }
0x4d: {  	_ =	shalt  }
0x4e: {  	_ =	shalt  }
0x4f: {  	_ =	shalt  }
0x50: {  	_ =	shalt  }
0x51: {  	_ =	shalt  }
0x52: {  	_ =	shalt  }
0x53: {  	_ =	shalt  }
0x54: {  	_ =	shalt  }
0x55: {  	_ =	shalt  }
0x56: {  	_ =	shalt  }
0x57: {  	_ =	shalt  }
0x58: {  	_ =	shalt  }
0x59: {  	_ =	shalt  }
0x5a: {  	_ =	shalt  }
0x5b: {  	_ =	shalt  }
0x5c: {  	_ =	shalt  }
0x5d: {  	_ =	shalt  }
0x5e: {  	_ =	shalt  }
0x5f: {  	_ =	shalt  }
0x60: {  	_ =	shalt  }
0x61: {  	_ =	shalt  }
0x62: {  	_ =	shalt  }
0x63: {  	_ =	shalt  }
0x64: {  	_ =	shalt  }
0x65: {  	_ =	shalt  }
0x66: {  	_ =	shalt  }
0x67: {  	_ =	shalt  }
0x68: {  	_ =	shalt  }
0x69: {  	_ =	shalt  }
0x6a: {  	_ =	shalt  }
0x6b: {  	_ =	shalt  }
0x6c: {  	_ =	shalt  }
0x6d: {  	_ =	shalt  }
0x6e: {  	_ =	shalt  }
0x6f: {  	_ =	shalt  }
0x70: {  	_ =	shalt  }
0x71: {  	_ =	shalt  }
0x72: {  	_ =	shalt  }
0x73: {  	_ =	shalt  }
0x74: {  	_ =	shalt  }
0x75: {  	_ =	shalt  }
0x76: {  	_ =	shalt  }
0x77: {  	_ =	shalt  }
0x78: {  	_ =	shalt  }
0x79: {  	_ =	shalt  }
0x7a: {  	_ =	shalt  }
0x7b: {  	_ =	shalt  }
0x7c: {  	_ =	shalt  }
0x7d: {  	_ =	shalt  }
0x7e: {  	_ =	shalt  }
0x7f: {  	_ =	shalt  }
0x80: {  	_ =	shalt  }
0x81: {  	_ =	shalt  }
0x82: {  	_ =	shalt  }
0x83: {  	_ =	shalt  }
0x84: {  	_ =	shalt  }
0x85: {  	_ =	shalt  }
0x86: {  	_ =	shalt  }
0x87: {  	_ =	shalt  }
.Lfunc_end0:
.L_simem_size_0:
called_computation_lowered:
.L_overlay_start_0:
0x88: {  	s2 =	sld [smem:$0x3FD9]  }
0x89: {  	s3 =	sld [smem:$0x3FFE];
	_ =	sdelay $0x1  }
0x8a: {  	s1 =	srdreg.scid  }
0x8b: {  	s0 =	sand.u32 $0x1, s1  }
0x8c: {  	s17 =	sshll.u32 s0, $0xA;
	s2 =	sadd.s32 s3, s2  }
0x8d: {  	s2 =	sadd.s32 s2, s17  }
0x8e: {  	[smem:$0x3FBF] =	sst s2  }
0x8f: {  	_ = 	snop  }
0x90: {  	s2 =	sld [smem:$0x3FC9]  }
0x91: {  	s18 =	sld [smem:$0x3FD0];
	(tm) =	ssettm $0x1  }
0x92: {  	s4 =	sld [smem:$0x3FFB];
	_ =	sdelay $0x3  }
0x93: {  	_ =	strace s4  }
0x94: {  	s4 =	sld [smem:$0x3FFC];
	_ =	sdelay $0x3  }
0x95: {  	_ =	strace s4  }
0x96: {  	s4 =	sld [smem:$0x3FFD];
	_ =	sdelay $0x3  }
0x97: {  	_ =	strace s4  }
0x98: {  	_ =	strace $0x8FFFFFFF  }
0x99: {  	s19 =	sld [smem:$0x3FDB];
	_ =	sdelay $0x1  }
0x9a: {  	s5 =	simm.s32 $_scs_section_size  }
0x9b: {  	s6 =	simm.s32 $_size__tile_overlayer_lowered;
	s7 =	simm.s32 $_tile_overlayer_lowered  }
0x9c: {  	s22 =	simm.s32 $0x1BFF;
	s21 =	sshll.u32 s7, $0x1;
	s4 =	sadd.s32 s5, s19  }
0x9d: {  	s8 =	simm.s32 $0x0;
	s20 =	sshll.u32 s6, $0x1;
	s6 =	sadd.s32 s21, s4  }
0x9e: {  	[timem:s8], [sflag:s22] =	dma.local [hbm:s6], s20  }
0x9f: {  	_ =	swait.ge [sflag:s22], s20  }
0xa0: {  	s5 =	ssub.s32 $0x0, s20;
	[sflag:s22] =	ssyncset.done $0x0  }
0xa1: {  	[sflag:s22] =	ssyncadd.s32 s5;
	_ =	sdelay $0x1  }
0xa2: {  	s23 =	simm.s32 $0x1B8B  }
0xa3: {  	_ =	swait.ge [sflag:s23], $0x1  }
0xa4: {  	[sflag:s23] =	ssyncset.done $0x0  }
0xa5: {  	s25 =	simm.s32 $0x1B8E;
	s24 =	sld [smem:$0x3FFE];
	[sflag:s23] =	ssyncadd.s32 $0xFFFFFFFF  }
0xa6: {  	s26 =	simm.s32 $execute0_lowered;
	[smem:$0x3FD2] =	sst s25  }
0xa7: {  	s6 =	sshll.u32 s26, $0x1;
	_ =	strace $0x80000046;
	[dreg:$0x1] =	wrdreg $0xFFFFFFFF  }
0xa8: {  	s28 =	simm.s32 $_size_execute0_lowered;
	s4 =	sadd.s32 s4, s6;
	[dreg:$0x0] =	wrdreg $0x0  }
0xa9: {  	s6 =	sshll.u32 s28, $0x1;
	[dreg:$0x2] =	wrdreg s4  }
0xaa: {  	[dreg:$0x3] =	wrdreg s6  }
0xab: {  	[dreg:$0x4] =	wrdreg $0xC0  }
0xac: {  	_ =	task [dreg:s8], $0x5FFFF  }
0xad: {  	[dreg:$0x1] =	wrdreg $0xFFFFFFFF  }
0xae: {  	[dreg:$0x0] =	wrdreg $0x60  }
0xaf: {  	[dreg:$0x2] =	wrdreg s2  }
0xb0: {  	[dreg:$0x3] =	wrdreg s18  }
0xb1: {  	[dreg:$0x4] =	wrdreg s24  }
0xb2: {  	[dreg:$0x5] =	wrdreg $0x9  }
0xb3: {  	_ =	task.clear_ibuf [dreg:s8], $0x6FFFF;
	_ =	strace $0x90000046  }
0xb4: {  	s29 =	simm.s32 $0x9;
	_ =	strace $0x80000048  }
0xb5: {  	_ =	swait.ge [sflag:s29], $0x1  }
0xb6: {  	[sflag:s29] =	ssyncadd.s32 $0xFFFFFFFF  }
0xb7: {  	_ =	strace $0x90000048  }
0xb8: {  	_ =	sfence  }
0xb9: {  	s30 =	sld [smem:$0x0];
	_ =	sdelay $0x2  }
0xba: {  	s31 =	sshll.u32 s1, $0xD;
	s1 =	sshrl.u32 s1, $0x2  }
0xbb: {  	s3 =	sand.u32 $0x4000, s31;
	s1 =	sadd.s32 s1, s30  }
0xbc: {  	s0 =	sor.u32 s3, s0;
	s1 =	sshll.u32 s1, $0x11  }
0xbd: {  	s0 =	sor.u32 s1, s0  }
0xbe: {  	s0 =	sadd.s32 $0x8F2B, s0  }
0xbf: {  	[sflag:s0] =	ssyncadd.remote.s32 $0x1  }
0xc0: {  	_ =	sfence.sel $0xFFFF  }
0xc1: {  	[dreg:$0x0] =	wrdreg $0xFFFFFFFF;
	(pc) =	sbr.abs _section_cstart, $3  }
0xc2: {  	[dreg:$0x1] =	wrdreg $0xFFFFFFFF  }
0xc3: {  	_ =	task.clear_ibuf [dreg:s8], $0x2FFFF;
	_ =	strace $0x9FFFFFFF  }
0xc4: {  	(tm) =	ssettm $0x7FFFFFFF  }
0xc5: {  	_ =	shalt  }
tec
execute0_lowered:
.L_overlay_start_1:
0x0: {  	(tag) =	ssettag $0x1  }
0x1: {  	s0 =	rddreg [dreg:$0x0]  }
0x2: {  	s1 =	rddreg [dreg:$0x1]  }
0x3: {  	s4 =	rddreg [dreg:$0x2];
	s2 =	simm.s32 $0x0;
	s3 =	srdreg.scid  }
0x4: {  	s6 =	stileid.u32;
	s19 =	simm.s32 $0x1;
	s21 =	simm.s32 $0x900  }
0x5: {  	s22 =	simm.s32 $0x1100;
	s23 =	simm.s32 $0x1900;
	s24 =	simm.s32 $0x2100  }
0x6: {  	s25 =	simm.s32 $0x2900;
	s28 =	simm.s32 $0x3900;
	s29 =	simm.s32 $0x4100  }
0x7: {  	s30 =	simm.s32 $0x4900;
	s31 =	simm.s32 $0x5100;
	s11 =	simm.s32 $0x6900  }
0x8: {  	s12 =	simm.s32 $0x7100;
	s13 =	simm.s32 $0x8100;
	s14 =	simm.s32 $0x8900  }
0x9: {  	s15 =	simm.s32 $0x9100;
	s16 =	simm.s32 $0x9900;
	s17 =	simm.s32 $0xA100  }
0xa: {  	s18 =	simm.s32 $0xA900;
	s10 =	simm.s32 $0xB100;
	[smem:$0x7FF] =	sst s2  }
0xb: {  	s5 =	sand.u32 $0x1, s3;
	s6 =	sshll.u32 s6, $0x1;
	s3 =	sadd.s32 $0x2200, s4  }
0xc: {  	_ =	strace $0x80000047;
	s7 =	ssub.s32 $0x2, s5;
	s5 =	sor.u32 s5, s6  }
0xd: {  	s6 =	sadd.s32 $0x2400, s4;
	s26 =	sshrl.u32 s7, $0x1;
	s8 =	sshll.u32 s5, $0x5  }
0xe: {  	s5 =	sshll.u32 s5, $0xE;
	s9 =	ssub.s32 s7, s26;
	s1 =	sadd.s32 s1, s8  }
0xf: {  	s5 =	sand.u32 $0x3C000, s5;
	s7 =	sadd.s32 $0x2500, s4;
	s26 =	simm.s32 $0x3100  }
0x10: {  	v2 =	vlaneseq.u32;
	[dreg:$0x4] =	wrdreg s1;
	s0 =	sadd.s32 s0, s5;
	s5 =	sadd.s32 $0x2300, s4  }
0x11: {  	vm0 =	vmmov $0xffff;
	v1 =	vshrl.u32 v2, $0x3;
	s8 =	smax.u32 s9, $0x1;
	[dreg:$0x6] =	wrdreg s0;
	s0 =	sadd.s32 $0x2000, s0  }
0x12: {  	v0 =	vand.u32 $0x7, v2;
	v2 =	vor.u32 $0x8, v2;
	v1 =	vmul.u32 $0x8, v1;
	s9 =	simm.s32 $0x2;
	s4 =	simm.s32 $0x7900;
	[dreg:$0x5] =	wrdreg s0  }
.LBB2_1:
0x13: {  	s20 =	rddreg [dreg:$0x4]  }
0x14: {  	[tilespmem:s2], [sflag:$0x2] =	stream.linear.gather [hbm4b:s20+s2], $0x100, $0x38;
	[tilespmem:$0x10100] =	vst v63  }
0x15: {  	_ =	swait.ge [sflag:s9], $0x100  }
0x16: {  	[sflag:s9] =	ssyncset.done $0x0  }
0x17: {  	s0 =	simm.s32 $0x100;
	s1 =	rddreg [dreg:$0x6];
	[sflag:s9] =	ssyncadd.s32 $0xFFFFFF00  }
0x18: {  	[tilespmem:s0], [sflag:$0x2] =	stream.linear.gather [hbm4b:s1+s2], $0x10000, $0x38;
	[tilespmem:$0x10100] =	vst v63  }
0x19: {  	_ =	swait.ge [sflag:s9], $0x10000  }
0x1a: {  	[sflag:s9] =	ssyncset.done $0x0  }
0x1b: {  	[sflag:s9] =	ssyncadd.s32 $0xFFFF0000  }
0x1c: {  	v3 =	vld [tilespmem:$0x0];
	_ =	sdelay $0x4  }
0x1d: {  	v4 =	vshll.u32 v3, $0x3  }
0x1e: {  	v3 =	vand.u32 $0x7, v3;
	v4 =	vand.u32 $0xFFFFFFC0, v4  }
0x1f: {  	v3 =	vor.u32 v3, v4  }
0x20: {  	v4 =	vperm.xlane v3, v0;
	_ =	sdelay $0x1  }
0x21: {  	v4 =	vadd.s32 v1, v4;
	_ =	sdelay $0x4  }
0x22: {  	[hbm4b:s3+s2] =	stream.indirect_vreg.scatter [tilespmem:s0], [sflag:$0x1], $0x80, v4, vm0, $0xb8;
	[tilespmem:$0x10100] =	vst v63  }
0x23: {  	v3 =	vperm.xlane v3, v2  }
0x24: {  	[hbm4b:s5+s2] =	stream.indirect_vreg.scatter [tilespmem:s21], [sflag:$0x1], $0x80, v4, vm0, $0xb8;
	[tilespmem:$0x10100] =	vst v63  }
0x25: {  	v3 =	vadd.s32 v1, v3  }
0x26: {  	[hbm4b:s6+s2] =	stream.indirect_vreg.scatter [tilespmem:s22], [sflag:$0x1], $0x80, v4, vm0, $0xb8;
	[tilespmem:$0x10100] =	vst v63  }
0x27: {  	_ = 	snop  }
0x28: {  	[hbm4b:s7+s2] =	stream.indirect_vreg.scatter [tilespmem:s23], [sflag:$0x1], $0x80, v4, vm0, $0xb8;
	[tilespmem:$0x10100] =	vst v63  }
0x29: {  	_ = 	snop  }
0x2a: {  	[hbm4b:s3+s2] =	stream.indirect_vreg.scatter [tilespmem:s24], [sflag:$0x1], $0x80, v3, vm0, $0xb8;
	[tilespmem:$0x10100] =	vst v63  }
0x2b: {  	_ = 	snop  }
0x2c: {  	[hbm4b:s5+s2] =	stream.indirect_vreg.scatter [tilespmem:s25], [sflag:$0x1], $0x80, v3, vm0, $0xb8;
	[tilespmem:$0x10100] =	vst v63  }
0x2d: {  	_ = 	snop  }
0x2e: {  	[hbm4b:s6+s2] =	stream.indirect_vreg.scatter [tilespmem:s26], [sflag:$0x1], $0x80, v3, vm0, $0xb8;
	[tilespmem:$0x10100] =	vst v63  }
0x2f: {  	_ = 	snop  }
0x30: {  	[hbm4b:s7+s2] =	stream.indirect_vreg.scatter [tilespmem:s28], [sflag:$0x1], $0x80, v3, vm0, $0xb8;
	[tilespmem:$0x10100] =	vst v63  }
0x31: {  	v3 =	vld [tilespmem:$0x10];
	_ =	sdelay $0x4  }
0x32: {  	v57 =	vshll.u32 v3, $0x3  }
0x33: {  	v3 =	vand.u32 $0x7, v3;
	v4 =	vand.u32 $0xFFFFFFC0, v57  }
0x34: {  	v3 =	vor.u32 v3, v4  }
0x35: {  	v4 =	vperm.xlane v3, v0;
	_ =	sdelay $0x1  }
0x36: {  	v4 =	vadd.s32 v1, v4;
	_ =	sdelay $0x4  }
0x37: {  	[hbm4b:s3+s2] =	stream.indirect_vreg.scatter [tilespmem:s29], [sflag:$0x1], $0x80, v4, vm0, $0xb8;
	[tilespmem:$0x10100] =	vst v63  }
0x38: {  	v3 =	vperm.xlane v3, v2  }
0x39: {  	[hbm4b:s5+s2] =	stream.indirect_vreg.scatter [tilespmem:s30], [sflag:$0x1], $0x80, v4, vm0, $0xb8;
	[tilespmem:$0x10100] =	vst v63  }
0x3a: {  	v3 =	vadd.s32 v1, v3  }
0x3b: {  	[hbm4b:s6+s2] =	stream.indirect_vreg.scatter [tilespmem:s31], [sflag:$0x1], $0x80, v4, vm0, $0xb8;
	[tilespmem:$0x10100] =	vst v63  }
0x3c: {  	s1 =	simm.s32 $0x5900  }
0x3d: {  	[hbm4b:s7+s2] =	stream.indirect_vreg.scatter [tilespmem:s1], [sflag:$0x1], $0x80, v4, vm0, $0xb8;
	[tilespmem:$0x10100] =	vst v63  }
0x3e: {  	s1 =	simm.s32 $0x6100  }
0x3f: {  	[hbm4b:s3+s2] =	stream.indirect_vreg.scatter [tilespmem:s1], [sflag:$0x1], $0x80, v3, vm0, $0xb8;
	[tilespmem:$0x10100] =	vst v63  }
0x40: {  	_ = 	snop  }
0x41: {  	[hbm4b:s5+s2] =	stream.indirect_vreg.scatter [tilespmem:s11], [sflag:$0x1], $0x80, v3, vm0, $0xb8;
	[tilespmem:$0x10100] =	vst v63  }
0x42: {  	_ = 	snop  }
0x43: {  	[hbm4b:s6+s2] =	stream.indirect_vreg.scatter [tilespmem:s12], [sflag:$0x1], $0x80, v3, vm0, $0xb8;
	[tilespmem:$0x10100] =	vst v63  }
0x44: {  	_ = 	snop  }
0x45: {  	[hbm4b:s7+s2] =	stream.indirect_vreg.scatter [tilespmem:s4], [sflag:$0x1], $0x80, v3, vm0, $0xb8;
	[tilespmem:$0x10100] =	vst v63  }
0x46: {  	v3 =	vld [tilespmem:$0x20];
	_ =	sdelay $0x4  }
0x47: {  	v58 =	vshll.u32 v3, $0x3  }
0x48: {  	v3 =	vand.u32 $0x7, v3;
	v4 =	vand.u32 $0xFFFFFFC0, v58  }
0x49: {  	v3 =	vor.u32 v3, v4  }
0x4a: {  	v4 =	vperm.xlane v3, v0;
	_ =	sdelay $0x1  }
0x4b: {  	v4 =	vadd.s32 v1, v4;
	_ =	sdelay $0x4  }
0x4c: {  	[hbm4b:s3+s2] =	stream.indirect_vreg.scatter [tilespmem:s13], [sflag:$0x1], $0x80, v4, vm0, $0xb8;
	[tilespmem:$0x10100] =	vst v63  }
0x4d: {  	v3 =	vperm.xlane v3, v2  }
0x4e: {  	[hbm4b:s5+s2] =	stream.indirect_vreg.scatter [tilespmem:s14], [sflag:$0x1], $0x80, v4, vm0, $0xb8;
	[tilespmem:$0x10100] =	vst v63  }
0x4f: {  	v3 =	vadd.s32 v1, v3  }
0x50: {  	[hbm4b:s6+s2] =	stream.indirect_vreg.scatter [tilespmem:s15], [sflag:$0x1], $0x80, v4, vm0, $0xb8;
	[tilespmem:$0x10100] =	vst v63  }
0x51: {  	_ = 	snop  }
0x52: {  	[hbm4b:s7+s2] =	stream.indirect_vreg.scatter [tilespmem:s16], [sflag:$0x1], $0x80, v4, vm0, $0xb8;
	[tilespmem:$0x10100] =	vst v63  }
0x53: {  	_ = 	snop  }
0x54: {  	[hbm4b:s3+s2] =	stream.indirect_vreg.scatter [tilespmem:s17], [sflag:$0x1], $0x80, v3, vm0, $0xb8;
	[tilespmem:$0x10100] =	vst v63  }
0x55: {  	_ = 	snop  }
0x56: {  	[hbm4b:s5+s2] =	stream.indirect_vreg.scatter [tilespmem:s18], [sflag:$0x1], $0x80, v3, vm0, $0xb8;
	[tilespmem:$0x10100] =	vst v63  }
0x57: {  	_ = 	snop  }
0x58: {  	[hbm4b:s6+s2] =	stream.indirect_vreg.scatter [tilespmem:s10], [sflag:$0x1], $0x80, v3, vm0, $0xb8;
	[tilespmem:$0x10100] =	vst v63  }
0x59: {  	s20 =	simm.s32 $0xB900  }
0x5a: {  	[hbm4b:s7+s2] =	stream.indirect_vreg.scatter [tilespmem:s20], [sflag:$0x1], $0x80, v3, vm0, $0xb8;
	[tilespmem:$0x10100] =	vst v63  }
0x5b: {  	v3 =	vld [tilespmem:$0x30];
	_ =	sdelay $0x4  }
0x5c: {  	v59 =	vshll.u32 v3, $0x3  }
0x5d: {  	v3 =	vand.u32 $0x7, v3;
	v4 =	vand.u32 $0xFFFFFFC0, v59  }
0x5e: {  	v3 =	vor.u32 v3, v4  }
0x5f: {  	v4 =	vperm.xlane v3, v0;
	_ =	sdelay $0x1  }
0x60: {  	v4 =	vadd.s32 v1, v4;
	_ =	sdelay $0x3  }
0x61: {  	s20 =	simm.s32 $0xC100  }
0x62: {  	[hbm4b:s3+s2] =	stream.indirect_vreg.scatter [tilespmem:s20], [sflag:$0x1], $0x80, v4, vm0, $0xb8;
	[tilespmem:$0x10100] =	vst v63  }
0x63: {  	v3 =	vperm.xlane v3, v2;
	s20 =	simm.s32 $0xC900  }
0x64: {  	[hbm4b:s5+s2] =	stream.indirect_vreg.scatter [tilespmem:s20], [sflag:$0x1], $0x80, v4, vm0, $0xb8;
	[tilespmem:$0x10100] =	vst v63  }
0x65: {  	v3 =	vadd.s32 v1, v3;
	s20 =	simm.s32 $0xD100  }
0x66: {  	[hbm4b:s6+s2] =	stream.indirect_vreg.scatter [tilespmem:s20], [sflag:$0x1], $0x80, v4, vm0, $0xb8;
	[tilespmem:$0x10100] =	vst v63  }
0x67: {  	s20 =	simm.s32 $0xD900  }
0x68: {  	[hbm4b:s7+s2] =	stream.indirect_vreg.scatter [tilespmem:s20], [sflag:$0x1], $0x80, v4, vm0, $0xb8;
	[tilespmem:$0x10100] =	vst v63  }
0x69: {  	s20 =	simm.s32 $0xE100  }
0x6a: {  	[hbm4b:s3+s2] =	stream.indirect_vreg.scatter [tilespmem:s20], [sflag:$0x1], $0x80, v3, vm0, $0xb8;
	[tilespmem:$0x10100] =	vst v63  }
0x6b: {  	s20 =	simm.s32 $0xE900  }
0x6c: {  	[hbm4b:s5+s2] =	stream.indirect_vreg.scatter [tilespmem:s20], [sflag:$0x1], $0x80, v3, vm0, $0xb8;
	[tilespmem:$0x10100] =	vst v63  }
0x6d: {  	s20 =	simm.s32 $0xF100  }
0x6e: {  	[hbm4b:s6+s2] =	stream.indirect_vreg.scatter [tilespmem:s20], [sflag:$0x1], $0x80, v3, vm0, $0xb8;
	[tilespmem:$0x10100] =	vst v63  }
0x6f: {  	s20 =	simm.s32 $0xF900  }
0x70: {  	[hbm4b:s7+s2] =	stream.indirect_vreg.scatter [tilespmem:s20], [sflag:$0x1], $0x80, v3, vm0, $0xb8;
	[tilespmem:$0x10100] =	vst v63  }
0x71: {  	_ =	swait.ge [sflag:s19], $0x10000  }
0x72: {  	[sflag:s19] =	ssyncset.done $0x0  }
0x73: {  	s20 =	rddreg [dreg:$0x5];
	[sflag:s19] =	ssyncadd.s32 $0xFFFF0000  }
0x74: {  	[tilespmem:s0], [sflag:$0x2] =	stream.linear.gather [hbm4b:s20+s2], $0x10000, $0x38;
	[tilespmem:$0x10100] =	vst v63  }
0x75: {  	_ =	swait.ge [sflag:s9], $0x10000  }
0x76: {  	[sflag:s9] =	ssyncset.done $0x0  }
0x77: {  	[sflag:s9] =	ssyncadd.s32 $0xFFFF0000  }
0x78: {  	v3 =	vld [tilespmem:$0x80];
	_ =	sdelay $0x4  }
0x79: {  	v60 =	vshll.u32 v3, $0x3  }
0x7a: {  	v3 =	vand.u32 $0x7, v3;
	v4 =	vand.u32 $0xFFFFFFC0, v60  }
0x7b: {  	v3 =	vor.u32 v3, v4  }
0x7c: {  	v4 =	vperm.xlane v3, v0;
	_ =	sdelay $0x1  }
0x7d: {  	v4 =	vadd.s32 v1, v4;
	_ =	sdelay $0x4  }
0x7e: {  	[hbm4b:s3+s2] =	stream.indirect_vreg.scatter [tilespmem:s0], [sflag:$0x1], $0x80, v4, vm0, $0xb8;
	[tilespmem:$0x10100] =	vst v63  }
0x7f: {  	v3 =	vperm.xlane v3, v2  }
0x80: {  	[hbm4b:s5+s2] =	stream.indirect_vreg.scatter [tilespmem:s21], [sflag:$0x1], $0x80, v4, vm0, $0xb8;
	[tilespmem:$0x10100] =	vst v63  }
0x81: {  	v3 =	vadd.s32 v1, v3  }
0x82: {  	[hbm4b:s6+s2] =	stream.indirect_vreg.scatter [tilespmem:s22], [sflag:$0x1], $0x80, v4, vm0, $0xb8;
	[tilespmem:$0x10100] =	vst v63  }
0x83: {  	_ = 	snop  }
0x84: {  	[hbm4b:s7+s2] =	stream.indirect_vreg.scatter [tilespmem:s23], [sflag:$0x1], $0x80, v4, vm0, $0xb8;
	[tilespmem:$0x10100] =	vst v63  }
0x85: {  	_ = 	snop  }
0x86: {  	[hbm4b:s3+s2] =	stream.indirect_vreg.scatter [tilespmem:s24], [sflag:$0x1], $0x80, v3, vm0, $0xb8;
	[tilespmem:$0x10100] =	vst v63  }
0x87: {  	_ = 	snop  }
0x88: {  	[hbm4b:s5+s2] =	stream.indirect_vreg.scatter [tilespmem:s25], [sflag:$0x1], $0x80, v3, vm0, $0xb8;
	[tilespmem:$0x10100] =	vst v63  }
0x89: {  	_ = 	snop  }
0x8a: {  	[hbm4b:s6+s2] =	stream.indirect_vreg.scatter [tilespmem:s26], [sflag:$0x1], $0x80, v3, vm0, $0xb8;
	[tilespmem:$0x10100] =	vst v63  }
0x8b: {  	_ = 	snop  }
0x8c: {  	[hbm4b:s7+s2] =	stream.indirect_vreg.scatter [tilespmem:s28], [sflag:$0x1], $0x80, v3, vm0, $0xb8;
	[tilespmem:$0x10100] =	vst v63  }
0x8d: {  	v3 =	vld [tilespmem:$0x90];
	_ =	sdelay $0x4  }
0x8e: {  	v61 =	vshll.u32 v3, $0x3  }
0x8f: {  	v3 =	vand.u32 $0x7, v3;
	v4 =	vand.u32 $0xFFFFFFC0, v61  }
0x90: {  	v3 =	vor.u32 v3, v4  }
0x91: {  	v4 =	vperm.xlane v3, v0;
	_ =	sdelay $0x1  }
0x92: {  	v4 =	vadd.s32 v1, v4;
	_ =	sdelay $0x4  }
0x93: {  	[hbm4b:s3+s2] =	stream.indirect_vreg.scatter [tilespmem:s29], [sflag:$0x1], $0x80, v4, vm0, $0xb8;
	[tilespmem:$0x10100] =	vst v63  }
0x94: {  	v3 =	vperm.xlane v3, v2  }
0x95: {  	[hbm4b:s5+s2] =	stream.indirect_vreg.scatter [tilespmem:s30], [sflag:$0x1], $0x80, v4, vm0, $0xb8;
	[tilespmem:$0x10100] =	vst v63  }
0x96: {  	v3 =	vadd.s32 v1, v3  }
0x97: {  	[hbm4b:s6+s2] =	stream.indirect_vreg.scatter [tilespmem:s31], [sflag:$0x1], $0x80, v4, vm0, $0xb8;
	[tilespmem:$0x10100] =	vst v63  }
0x98: {  	s20 =	simm.s32 $0x5900  }
0x99: {  	[hbm4b:s7+s2] =	stream.indirect_vreg.scatter [tilespmem:s20], [sflag:$0x1], $0x80, v4, vm0, $0xb8;
	[tilespmem:$0x10100] =	vst v63  }
0x9a: {  	_ = 	snop  }
0x9b: {  	[hbm4b:s3+s2] =	stream.indirect_vreg.scatter [tilespmem:s1], [sflag:$0x1], $0x80, v3, vm0, $0xb8;
	[tilespmem:$0x10100] =	vst v63  }
0x9c: {  	_ = 	snop  }
0x9d: {  	[hbm4b:s5+s2] =	stream.indirect_vreg.scatter [tilespmem:s11], [sflag:$0x1], $0x80, v3, vm0, $0xb8;
	[tilespmem:$0x10100] =	vst v63  }
0x9e: {  	_ = 	snop  }
0x9f: {  	[hbm4b:s6+s2] =	stream.indirect_vreg.scatter [tilespmem:s12], [sflag:$0x1], $0x80, v3, vm0, $0xb8;
	[tilespmem:$0x10100] =	vst v63  }
0xa0: {  	_ = 	snop  }
0xa1: {  	[hbm4b:s7+s2] =	stream.indirect_vreg.scatter [tilespmem:s4], [sflag:$0x1], $0x80, v3, vm0, $0xb8;
	[tilespmem:$0x10100] =	vst v63  }
0xa2: {  	v3 =	vld [tilespmem:$0xA0];
	_ =	sdelay $0x4  }
0xa3: {  	v62 =	vshll.u32 v3, $0x3  }
0xa4: {  	v3 =	vand.u32 $0x7, v3;
	v4 =	vand.u32 $0xFFFFFFC0, v62  }
0xa5: {  	v3 =	vor.u32 v3, v4  }
0xa6: {  	v4 =	vperm.xlane v3, v0;
	_ =	sdelay $0x1  }
0xa7: {  	v4 =	vadd.s32 v1, v4;
	_ =	sdelay $0x4  }
0xa8: {  	[hbm4b:s3+s2] =	stream.indirect_vreg.scatter [tilespmem:s13], [sflag:$0x1], $0x80, v4, vm0, $0xb8;
	[tilespmem:$0x10100] =	vst v63  }
0xa9: {  	v3 =	vperm.xlane v3, v2  }
0xaa: {  	[hbm4b:s5+s2] =	stream.indirect_vreg.scatter [tilespmem:s14], [sflag:$0x1], $0x80, v4, vm0, $0xb8;
	[tilespmem:$0x10100] =	vst v63  }
0xab: {  	v3 =	vadd.s32 v1, v3  }
0xac: {  	[hbm4b:s6+s2] =	stream.indirect_vreg.scatter [tilespmem:s15], [sflag:$0x1], $0x80, v4, vm0, $0xb8;
	[tilespmem:$0x10100] =	vst v63  }
0xad: {  	_ = 	snop  }
0xae: {  	[hbm4b:s7+s2] =	stream.indirect_vreg.scatter [tilespmem:s16], [sflag:$0x1], $0x80, v4, vm0, $0xb8;
	[tilespmem:$0x10100] =	vst v63  }
0xaf: {  	_ = 	snop  }
0xb0: {  	[hbm4b:s3+s2] =	stream.indirect_vreg.scatter [tilespmem:s17], [sflag:$0x1], $0x80, v3, vm0, $0xb8;
	[tilespmem:$0x10100] =	vst v63  }
0xb1: {  	_ = 	snop  }
0xb2: {  	[hbm4b:s5+s2] =	stream.indirect_vreg.scatter [tilespmem:s18], [sflag:$0x1], $0x80, v3, vm0, $0xb8;
	[tilespmem:$0x10100] =	vst v63  }
0xb3: {  	_ = 	snop  }
0xb4: {  	[hbm4b:s6+s2] =	stream.indirect_vreg.scatter [tilespmem:s10], [sflag:$0x1], $0x80, v3, vm0, $0xb8;
	[tilespmem:$0x10100] =	vst v63  }
0xb5: {  	s20 =	simm.s32 $0xB900  }
0xb6: {  	[hbm4b:s7+s2] =	stream.indirect_vreg.scatter [tilespmem:s20], [sflag:$0x1], $0x80, v3, vm0, $0xb8;
	[tilespmem:$0x10100] =	vst v63  }
0xb7: {  	v3 =	vld [tilespmem:$0xB0];
	_ =	sdelay $0x4  }
0xb8: {  	v63 =	vshll.u32 v3, $0x3  }
0xb9: {  	v3 =	vand.u32 $0x7, v3;
	v4 =	vand.u32 $0xFFFFFFC0, v63  }
0xba: {  	v3 =	vor.u32 v3, v4  }
0xbb: {  	v4 =	vperm.xlane v3, v0;
	_ =	sdelay $0x1  }
0xbc: {  	v4 =	vadd.s32 v1, v4;
	_ =	sdelay $0x3  }
0xbd: {  	s1 =	simm.s32 $0xC100  }
0xbe: {  	[hbm4b:s3+s2] =	stream.indirect_vreg.scatter [tilespmem:s1], [sflag:$0x1], $0x80, v4, vm0, $0xb8;
	[tilespmem:$0x10100] =	vst v63  }
0xbf: {  	s20 =	simm.s32 $0xC900;
	v3 =	vperm.xlane v3, v2  }
0xc0: {  	[hbm4b:s5+s2] =	stream.indirect_vreg.scatter [tilespmem:s20], [sflag:$0x1], $0x80, v4, vm0, $0xb8;
	[tilespmem:$0x10100] =	vst v63  }
0xc1: {  	v3 =	vadd.s32 v1, v3;
	s1 =	simm.s32 $0xD100  }
0xc2: {  	[hbm4b:s6+s2] =	stream.indirect_vreg.scatter [tilespmem:s1], [sflag:$0x1], $0x80, v4, vm0, $0xb8;
	[tilespmem:$0x10100] =	vst v63  }
0xc3: {  	s20 =	simm.s32 $0xD900  }
0xc4: {  	[hbm4b:s7+s2] =	stream.indirect_vreg.scatter [tilespmem:s20], [sflag:$0x1], $0x80, v4, vm0, $0xb8;
	[tilespmem:$0x10100] =	vst v63  }
0xc5: {  	s1 =	simm.s32 $0xE100  }
0xc6: {  	[hbm4b:s3+s2] =	stream.indirect_vreg.scatter [tilespmem:s1], [sflag:$0x1], $0x80, v3, vm0, $0xb8;
	[tilespmem:$0x10100] =	vst v63  }
0xc7: {  	s20 =	simm.s32 $0xE900  }
0xc8: {  	[hbm4b:s5+s2] =	stream.indirect_vreg.scatter [tilespmem:s20], [sflag:$0x1], $0x80, v3, vm0, $0xb8;
	[tilespmem:$0x10100] =	vst v63  }
0xc9: {  	p0 =	sne.s32 s8, $0x1;
	s1 =	simm.s32 $0xF100  }
0xca: {  	[hbm4b:s6+s2] =	stream.indirect_vreg.scatter [tilespmem:s1], [sflag:$0x1], $0x80, v3, vm0, $0xb8;
	[tilespmem:$0x10100] =	vst v63  }
.Ltmp0:
0xcb: {  	s20 =	simm.s32 $0xF900;
	(pc) =	sbr.rel @p0 .LBB2_1-.Ltmp0, $4  }
0xcc: {  	[hbm4b:s7+s2] =	stream.indirect_vreg.scatter [tilespmem:s20], [sflag:$0x1], $0x80, v3, vm0, $0xb8;
	[tilespmem:$0x10100] =	vst v63  }
0xcd: {  	_ =	swait.ge [sflag:s19], $0x10000  }
0xce: {  	[sflag:s19] =	ssyncset.done $0x0  }
0xcf: {  	s8 =	sadd.s32 $0xFFFFFFFF, s8;
	[sflag:s19] =	ssyncadd.s32 $0xFFFF0000  }
0xd0: {  	_ =	sfence.sel $0x180000  }
0xd1: {  	[bflag:$0x0] =	sbarrier.arrive $0xFFFF  }
0xd2: {  	_ =	strace $0x90000047  }
0xd3: {  	s0 =	stileid.u32;
	[bflag:$0x2] =	sbarrier.arrive $0xFFFF  }
0xd4: {  	p0 =	sne.s32 s0, $0x0;
	s0 =	rddreg [dreg:$0x3]  }
0xd5: {  	s0 =	sadd.s32 @!p0 $0x100000, s0  }
0xd6: {  	[sflag:s0] =	ssyncadd.tile.s32 @!p0 $0x1;
	_ =	shalt  }
.Lfunc_end2:
_tile_overlayer_lowered:
.L_overlay_start_2:
0xd7: {  	(tag) =	ssettag $0x2  }
0xd8: {  	s0 =	rddreg [dreg:$0x0];
	s2 =	stileid.u32  }
0xd9: {  	s1 =	rddreg [dreg:$0x1];
	p0 =	sne.s32 s2, $0x0  }
0xda: {  	s3 =	rddreg [dreg:$0x2];
	[bflag:$0x3] =	sbarrier.arrive $0xFFFF;
	s2 =	simm.s32 @!p0 $0x1C02  }
0xdb: {  	[timem:s3], [sflag:s2] =	dma.local @!p0 [hbm:s0], s1  }
0xdc: {  	s0 =	simm.s32 @!p0 $0x2  }
0xdd: {  	_ =	swait.ge @!p0 [sflag:s0], s1  }
0xde: {  	s1 =	ssub.s32 @!p0 $0x0, s1;
	[sflag:s0] =	ssyncset.done @!p0 $0x0  }
0xdf: {  	[sflag:s0] =	ssyncadd.s32 @!p0 s1  }
0xe0: {  	[bflag:$0x3] =	sbarrier.arrive $0xFFFF  }
0xe1: {  	_ =	shalt  }

</sc_bundles>
